<compile_context>
chip_gen: v7x
topology: tpu7x:2x2x1
jax: 0.10.2.dev20260603
libtpu: 0.0.44.dev20260713+nightly
codegen_flags: <defaults>
</compile_context>

<pallas_src>
import functools

import jax
import jax.numpy as jnp
from jax import lax
from jax.experimental import pallas as pl
from jax.experimental.pallas import tpu as pltpu
from jax.experimental.pallas import tpu_sc as plsc

N = 10000
E = 320000
D = 128
K = 16

NC = 2
NS = 16
NW = NC * NS
B = 128
NBUF = 2
CHUNKS = 80
EPT = CHUNKS * B
EPAD = EPT * NW
DUMMY = N
NP = 10240
RPT = NP // NS
RB = 1024


_mesh = plsc.VectorSubcoreMesh(core_axis_name="c", subcore_axis_name="s")


@functools.partial(
    pl.kernel,
    mesh=_mesh,
    out_type=jax.ShapeDtypeStruct((NW, NP), jnp.float32),
    scratch_types=[
        pltpu.VMEM((EPT,), jnp.int32),
        pltpu.VMEM((NP,), jnp.float32),
    ],
    compiler_params=pltpu.CompilerParams(needs_layout_passes=False),
)
def _sc_hist(dst_hbm, out_hbm, dstw_v, hist_v):
    c = lax.axis_index("c")
    s = lax.axis_index("s")
    wid = c * NS + s

    def _zh(i, _):
        hist_v[pl.ds(i * 16, 16)] = jnp.zeros((16,), jnp.float32)
        return _

    lax.fori_loop(0, NP // 16, _zh, None)
    pltpu.sync_copy(dst_hbm.at[wid], dstw_v)
    ones = jnp.ones((16,), jnp.float32)

    def _e(k, _):
        idx = dstw_v[pl.ds(k * 16, 16)]
        plsc.addupdate_scatter(hist_v, [idx], ones)
        return _

    lax.fori_loop(0, EPT // 16, _e, None)
    pltpu.sync_copy(hist_v, out_hbm.at[wid])


@functools.partial(
    pl.kernel,
    mesh=_mesh,
    out_type=jax.ShapeDtypeStruct((NC, NP, D), jnp.float32),
    scratch_types=[
        pltpu.VMEM((2, B), jnp.int32),
        pltpu.VMEM((B, D), jnp.float32),
        pltpu.VMEM_SHARED((NP, D), jnp.float32),
        pltpu.SemaphoreType.DMA,
    ],
)
def _sc_spmm(y_hbm, eidx_hbm, out_hbm, eb_v, rows_v, acc_sh, sem):
    c = lax.axis_index("c")
    s = lax.axis_index("s")
    base = (c * NS + s) * CHUNKS

    def _zero(i, _):
        for j in range(D // 16):
            rows_v[i, pl.ds(j * 16, 16)] = jnp.zeros((16,), jnp.float32)
        return _

    lax.fori_loop(0, B, _zero, None)
    for k in range(RPT // B):
        pltpu.sync_copy(rows_v, acc_sh.at[pl.ds(s * RPT + k * B, B)])
    plsc.subcore_barrier()

    def _step(ch, _):
        pltpu.sync_copy(eidx_hbm.at[base + ch], eb_v)
        pltpu.async_copy(y_hbm.at[eb_v.at[0]], rows_v, sem).wait()
        pltpu.sync_copy(rows_v, acc_sh.at[eb_v.at[1]], add=True)
        return _

    lax.fori_loop(0, CHUNKS, _step, None)

    plsc.subcore_barrier()
    pltpu.sync_copy(acc_sh.at[pl.ds(s * RPT, RPT)],
                    out_hbm.at[c, pl.ds(s * RPT, RPT)])


def _r_from_deg(degp_ref):
    deg = jnp.sum(degp_ref[...], axis=0)[:, None]
    return lax.rsqrt(jnp.maximum(deg, 1.0))


def _tc_scale_body(degp_ref, x_ref, o_ref):
    o_ref[...] = x_ref[...] * _r_from_deg(degp_ref)


def _tc_layer_body(degp_ref, vp_ref, w_ref, b_ref, o_ref):
    r = _r_from_deg(degp_ref)
    t = (vp_ref[0] + vp_ref[1]) * r
    h = jnp.maximum(jnp.dot(t, w_ref[...],
                            preferred_element_type=jnp.float32) + b_ref[...], 0.0)
    o_ref[...] = h * r


def _tc_head_body(degp_ref, vp_ref, w_ref, b_ref, ws_ref, bs_ref, o_ref):
    r = _r_from_deg(degp_ref)
    t = (vp_ref[0] + vp_ref[1]) * r
    h = jnp.maximum(jnp.dot(t, w_ref[...],
                            preferred_element_type=jnp.float32) + b_ref[...], 0.0)
    logits = jnp.dot(h, ws_ref[...], preferred_element_type=jnp.float32) + bs_ref[...]
    m = jnp.max(logits, axis=-1, keepdims=True)
    e = jnp.exp(logits - m)
    o_ref[...] = e / jnp.sum(e, axis=-1, keepdims=True)


_deg_spec = pl.BlockSpec((NW, RB), lambda i: (0, i))
_vp_spec = pl.BlockSpec((NC, RB, D), lambda i: (0, i, 0))
_row_spec = pl.BlockSpec((RB, D), lambda i: (i, 0))
_full = lambda *shape: pl.BlockSpec(shape, lambda i: (0,) * len(shape))


def _tc_scale(degp, xpad):
    return pl.pallas_call(
        _tc_scale_body,
        grid=(NP // RB,),
        in_specs=[_deg_spec, _row_spec],
        out_specs=_row_spec,
        out_shape=jax.ShapeDtypeStruct((NP, D), jnp.float32),
    )(degp, xpad)


def _tc_layer(degp, vp, w, b):
    return pl.pallas_call(
        _tc_layer_body,
        grid=(NP // RB,),
        in_specs=[_deg_spec, _vp_spec, _full(D, D), _full(D)],
        out_specs=_row_spec,
        out_shape=jax.ShapeDtypeStruct((NP, D), jnp.float32),
    )(degp, vp, w, b)


def _tc_head(degp, vp, w, b, ws, bs):
    return pl.pallas_call(
        _tc_head_body,
        grid=(NP // RB,),
        in_specs=[_deg_spec, _vp_spec, _full(D, D), _full(D), _full(D, K), _full(K)],
        out_specs=pl.BlockSpec((RB, K), lambda i: (i, 0)),
        out_shape=jax.ShapeDtypeStruct((NP, K), jnp.float32),
    )(degp, vp, w, b, ws, bs)


def kernel(x, edge_index, W1, b1, W2, b2, Ws, bs):
    pad_idx = DUMMY + (jnp.arange(EPAD - E, dtype=jnp.int32) % (NP - N))
    src = jnp.concatenate([edge_index[0], pad_idx])
    dst = jnp.concatenate([edge_index[1], pad_idx])
    eidx = jnp.stack(
        [src.reshape(NW * CHUNKS, B), dst.reshape(NW * CHUNKS, B)], axis=1)
    xpad = jnp.pad(x, ((0, NP - N), (0, 0)))

    degp = _sc_hist(dst.reshape(NW, EPT))
    u1 = _tc_scale(degp, xpad)
    v1 = _sc_spmm(u1, eidx)
    u2 = _tc_layer(degp, v1, W1, b1)
    v2 = _sc_spmm(u2, eidx)
    out = _tc_head(degp, v2, W2, b2, Ws, bs)
    return out[:N]

# --- scband reference (transcript-rebuilt; emitter-appended) ---
"""Pipeline reference for scband-clustering-model-16028817949044 (READ-ONLY COPY).

The authoritative reference and input builder live on the scoring server;
editing this copy changes nothing except your own understanding.
"""

import jax, jax.numpy as jnp
import numpy as np

N = 10000
E = 320000
D = 128
C = 128
K = 16


def setup_inputs(seed: int = 0) -> dict:
    key = jax.random.key(seed)
    ks = jax.random.split(key, 8)
    x = jax.random.normal(ks[0], (N, D), dtype=jnp.float32)
    edge_index = jax.random.randint(ks[1], (2, E), 0, N, dtype=jnp.int32)
    W1 = jax.random.normal(ks[2], (D, C), dtype=jnp.float32) * (1.0 / np.sqrt(D))
    b1 = jnp.zeros((C,), dtype=jnp.float32)
    W2 = jax.random.normal(ks[3], (C, C), dtype=jnp.float32) * (1.0 / np.sqrt(C))
    b2 = jnp.zeros((C,), dtype=jnp.float32)
    Ws = jax.random.normal(ks[4], (C, K), dtype=jnp.float32) * (1.0 / np.sqrt(C))
    bs = jnp.zeros((K,), dtype=jnp.float32)
    return {"x": x, "edge_index": edge_index, "W1": W1, "b1": b1, "W2": W2, "b2": b2, "Ws": Ws, "bs": bs}


def _gcn_layer(x, edge_index, W, b):
    # symmetric-normalized GCN message passing (one aggr layer of self.mp)
    src = edge_index[0]
    dst = edge_index[1]
    n = x.shape[0]
    deg = jnp.zeros((n,), dtype=jnp.float32).at[dst].add(1.0)
    deg = jnp.clip(deg, 1.0, None)
    norm = 1.0 / jnp.sqrt(deg[src] * deg[dst])
    msgs = x[src] * norm[:, None]
    agg = jnp.zeros((n, x.shape[1]), dtype=x.dtype).at[dst].add(msgs)
    return jax.nn.relu(agg @ W + b)


def reference(x, edge_index, W1, b1, W2, b2, Ws, bs):
    # out = x; for _mp in self.mp: out = _mp([out, a])
    out = _gcn_layer(x, edge_index, W1, b1)
    out = _gcn_layer(out, edge_index, W2, b2)
    # _, _, s_pool = self.pool([out, a])  -> soft cluster assignment matrix
    s_pool = jax.nn.softmax(out @ Ws + bs, axis=-1)
    return s_pool

if __name__ == "__main__":
    import jax
    _d = setup_inputs()
    print(jax.jit(kernel)(*tuple(_d.values())))

</pallas_src>

<mosaic_0001>
#map = affine_map<(d0, d1) -> (0, 0)>
module attributes {stable_mosaic.version = 14 : i64} {
  func.func @_sc_hist(%arg0: i32, %arg1: i32, %arg2: memref<32x10240xi32, #tpu.memory_space<hbm>>, %arg3: memref<32x10240xf32, #tpu.memory_space<hbm>>, %arg4: memref<10240xi32, #tpu.memory_space<vmem>>, %arg5: memref<10240xf32, #tpu.memory_space<vmem>>) attributes {dimension_semantics = [#tpu.dimension_semantics<core_parallel>, #tpu.dimension_semantics<subcore_parallel>], iteration_bounds = array<i64: 2, 16>, scalar_prefetch = 0 : i64, scratch_operands = 2 : i64, tpu.core_type = #tpu.core_type<sc_vector_subcore>, window_params = [{transform_indices = #map}, {transform_indices = #map}]} {
    %mul3A = arith.constant 16 : i32
    %mul3A_0 = arith.muli %arg0, %mul3A : i32
    %add3A = arith.addi %mul3A_0, %arg1 : i32
    %scan3A = arith.constant 0 : i32
    %scan3A_1 = arith.constant 640 : i32
    %scan3A_2 = arith.addi %scan3A, %scan3A_1 : i32
    %scan3A_3 = arith.constant 1 : i32
    scf.for %scan3A_11 = %scan3A to %scan3A_2 step %scan3A_3  : i32 {
      %broadcast_in_dim3A_12 = arith.constant 0.000000e+00 : f32
      %broadcast_in_dim3A_13 = vector.broadcast %broadcast_in_dim3A_12 : f32 to vector<16xf32>
      %mul3A_14 = arith.constant 16 : i32
      %mul3A_15 = arith.muli %scan3A_11, %mul3A_14 : i32
      %swap3A = arith.index_cast %mul3A_15 : i32 to index
      %swap3A_16 = tpu.vector_load %arg5[%swap3A] {strides = array<i32>} : memref<10240xf32, #tpu.memory_space<vmem>>, vector<16xf32>,
      tpu.vector_store %arg5[%swap3A], %broadcast_in_dim3A_13 {strides = array<i32>} : memref<10240xf32, #tpu.memory_space<vmem>>, vector<16xf32>,
    }
    %scan3A_4 = arith.constant 640 : i32
    "tpu.region"() ({
      %run_scoped3A = tpu.sem_alloc : memref<!tpu.dma_semaphore, #tpu.memory_space<semaphore_mem>>
      %dma_start3A = arith.constant 0 : i32
      %dma_start3A_11 = tpu.memref_slice %arg2[%add3A, %dma_start3A] : memref<32x10240xi32, #tpu.memory_space<hbm>> -> memref<1x10240xi32, #tpu.memory_space<hbm>>
      %dma_start3A_12 = tpu.memref_squeeze %dma_start3A_11 : memref<1x10240xi32, #tpu.memory_space<hbm>> -> memref<10240xi32, #tpu.memory_space<hbm>>
      %dma_start3A_13 = arith.constant 0 : i32
      %dma_start3A_14 = tpu.memref_slice %arg2[%add3A, %dma_start3A_13] : memref<32x10240xi32, #tpu.memory_space<hbm>> -> memref<1x10240xi32, #tpu.memory_space<hbm>>
      %dma_start3A_15 = tpu.memref_squeeze %dma_start3A_14 : memref<1x10240xi32, #tpu.memory_space<hbm>> -> memref<10240xi32, #tpu.memory_space<hbm>>
      tpu.enqueue_dma source(%dma_start3A_15 : memref<10240xi32, #tpu.memory_space<hbm>>) target(%arg4 : memref<10240xi32, #tpu.memory_space<vmem>>) target_semaphore(%run_scoped3A : memref<!tpu.dma_semaphore, #tpu.memory_space<semaphore_mem>>)
      %dma_wait3A = arith.constant 0 : i32
      %dma_wait3A_16 = tpu.memref_slice %arg2[%add3A, %dma_wait3A] : memref<32x10240xi32, #tpu.memory_space<hbm>> -> memref<1x10240xi32, #tpu.memory_space<hbm>>
      %dma_wait3A_17 = tpu.memref_squeeze %dma_wait3A_16 : memref<1x10240xi32, #tpu.memory_space<hbm>> -> memref<10240xi32, #tpu.memory_space<hbm>>
      %dma_wait3A_18 = arith.constant 0 : i32
      %dma_wait3A_19 = tpu.memref_slice %arg2[%add3A, %dma_wait3A_18] : memref<32x10240xi32, #tpu.memory_space<hbm>> -> memref<1x10240xi32, #tpu.memory_space<hbm>>
      %dma_wait3A_20 = tpu.memref_squeeze %dma_wait3A_19 : memref<1x10240xi32, #tpu.memory_space<hbm>> -> memref<10240xi32, #tpu.memory_space<hbm>>
      tpu.wait_dma2 semaphore(%run_scoped3A : memref<!tpu.dma_semaphore, #tpu.memory_space<semaphore_mem>>) src(%dma_wait3A_20 : memref<10240xi32, #tpu.memory_space<hbm>>) dst(%arg4 : memref<10240xi32, #tpu.memory_space<vmem>>)
      tpu.yield
    }) : () -> ()
    %broadcast_in_dim3A = arith.constant 1.000000e+00 : f32
    %broadcast_in_dim3A_5 = vector.broadcast %broadcast_in_dim3A : f32 to vector<16xf32>
    %scan3A_6 = arith.constant 0 : i32
    %scan3A_7 = arith.constant 640 : i32
    %scan3A_8 = arith.addi %scan3A_6, %scan3A_7 : i32
    %scan3A_9 = arith.constant 1 : i32
    scf.for %scan3A_11 = %scan3A_6 to %scan3A_8 step %scan3A_9  : i32 {
      %mul3A_12 = arith.constant 16 : i32
      %mul3A_13 = arith.muli %scan3A_11, %mul3A_12 : i32
      %get3A = arith.index_cast %mul3A_13 : i32 to index
      %get3A_14 = tpu.vector_load %arg4[%get3A] {strides = array<i32>} : memref<10240xi32, #tpu.memory_space<vmem>>, vector<16xi32>,
      tpu.vector_store_idx %arg5[%get3A_14], %broadcast_in_dim3A_5 {add = true} : memref<10240xf32, #tpu.memory_space<vmem>>[vector<16xi32>], vector<16xf32>,
    }
    %scan3A_10 = arith.constant 640 : i32
    "tpu.region"() ({
      %run_scoped3A = tpu.sem_alloc : memref<!tpu.dma_semaphore, #tpu.memory_space<semaphore_mem>>
      %dma_start3A = arith.constant 0 : i32
      %dma_start3A_11 = tpu.memref_slice %arg3[%add3A, %dma_start3A] : memref<32x10240xf32, #tpu.memory_space<hbm>> -> memref<1x10240xf32, #tpu.memory_space<hbm>>
      %dma_start3A_12 = tpu.memref_squeeze %dma_start3A_11 : memref<1x10240xf32, #tpu.memory_space<hbm>> -> memref<10240xf32, #tpu.memory_space<hbm>>
      %dma_start3A_13 = arith.constant 0 : i32
      %dma_start3A_14 = tpu.memref_slice %arg3[%add3A, %dma_start3A_13] : memref<32x10240xf32, #tpu.memory_space<hbm>> -> memref<1x10240xf32, #tpu.memory_space<hbm>>
      %dma_start3A_15 = tpu.memref_squeeze %dma_start3A_14 : memref<1x10240xf32, #tpu.memory_space<hbm>> -> memref<10240xf32, #tpu.memory_space<hbm>>
      tpu.enqueue_dma source(%arg5 : memref<10240xf32, #tpu.memory_space<vmem>>) target(%dma_start3A_15 : memref<10240xf32, #tpu.memory_space<hbm>>) target_semaphore(%run_scoped3A : memref<!tpu.dma_semaphore, #tpu.memory_space<semaphore_mem>>)
      %dma_wait3A = arith.constant 0 : i32
      %dma_wait3A_16 = tpu.memref_slice %arg3[%add3A, %dma_wait3A] : memref<32x10240xf32, #tpu.memory_space<hbm>> -> memref<1x10240xf32, #tpu.memory_space<hbm>>
      %dma_wait3A_17 = tpu.memref_squeeze %dma_wait3A_16 : memref<1x10240xf32, #tpu.memory_space<hbm>> -> memref<10240xf32, #tpu.memory_space<hbm>>
      %dma_wait3A_18 = arith.constant 0 : i32
      %dma_wait3A_19 = tpu.memref_slice %arg3[%add3A, %dma_wait3A_18] : memref<32x10240xf32, #tpu.memory_space<hbm>> -> memref<1x10240xf32, #tpu.memory_space<hbm>>
      %dma_wait3A_20 = tpu.memref_squeeze %dma_wait3A_19 : memref<1x10240xf32, #tpu.memory_space<hbm>> -> memref<10240xf32, #tpu.memory_space<hbm>>
      tpu.wait_dma2 semaphore(%run_scoped3A : memref<!tpu.dma_semaphore, #tpu.memory_space<semaphore_mem>>) src(%arg5 : memref<10240xf32, #tpu.memory_space<vmem>>) dst(%dma_wait3A_20 : memref<10240xf32, #tpu.memory_space<hbm>>)
      tpu.yield
    }) : () -> ()
    return
  }
}

#map = affine_map<(d0, d1) -> (0, 0)>
#map1 = affine_map<(d0, d1) -> (0, 0, 0)>
module attributes {stable_mosaic.version = 14 : i64} {
  func.func @_sc_spmm(%arg0: i32, %arg1: i32, %arg2: memref<10240x128xf32, #tpu.memory_space<hbm>>, %arg3: memref<2560x2x128xi32, #tpu.memory_space<hbm>>, %arg4: memref<2x10240x128xf32, #tpu.memory_space<hbm>>, %arg5: memref<2x128xi32, #tpu.memory_space<vmem>>, %arg6: memref<128x128xf32, #tpu.memory_space<vmem>>, %arg7: memref<10240x128xf32, #tpu.memory_space<vmem_shared>>, %arg8: memref<!tpu.dma_semaphore, #tpu.memory_space<semaphore_mem>>) attributes {dimension_semantics = [#tpu.dimension_semantics<core_parallel>, #tpu.dimension_semantics<subcore_parallel>], iteration_bounds = array<i64: 2, 16>, scalar_prefetch = 0 : i64, scratch_operands = 4 : i64, tpu.core_type = #tpu.core_type<sc_vector_subcore>, window_params = [{transform_indices = #map}, {transform_indices = #map1}, {transform_indices = #map1}]} {
    %mul3A = arith.constant 16 : i32
    %mul3A_0 = arith.muli %arg0, %mul3A : i32
    %add3A = arith.addi %mul3A_0, %arg1 : i32
    %mul3A_1 = arith.constant 80 : i32
    %mul3A_2 = arith.muli %add3A, %mul3A_1 : i32
    %scan3A = arith.constant 0 : i32
    %scan3A_3 = arith.constant 128 : i32
    %scan3A_4 = arith.addi %scan3A, %scan3A_3 : i32
    %scan3A_5 = arith.constant 1 : i32
    scf.for %scan3A_37 = %scan3A to %scan3A_4 step %scan3A_5  : i32 {
      %broadcast_in_dim3A = arith.constant 0.000000e+00 : f32
      %broadcast_in_dim3A_38 = vector.broadcast %broadcast_in_dim3A : f32 to vector<16xf32>
      %swap3A = arith.index_cast %scan3A_37 : i32 to index
      %swap3A_39 = arith.constant 0 : index
      %swap3A_40 = tpu.vector_load %arg6[%swap3A, %swap3A_39] {strides = array<i32>} : memref<128x128xf32, #tpu.memory_space<vmem>>, vector<1x16xf32>,
      %swap3A_41 = vector.shape_cast %swap3A_40 : vector<1x16xf32> to vector<16xf32>
      %swap3A_42 = vector.shape_cast %broadcast_in_dim3A_38 : vector<16xf32> to vector<1x16xf32>
      tpu.vector_store %arg6[%swap3A, %swap3A_39], %swap3A_42 {strides = array<i32>} : memref<128x128xf32, #tpu.memory_space<vmem>>, vector<1x16xf32>,
      %broadcast_in_dim3A_43 = arith.constant 0.000000e+00 : f32
      %broadcast_in_dim3A_44 = vector.broadcast %broadcast_in_dim3A_43 : f32 to vector<16xf32>
      %swap3A_45 = arith.index_cast %scan3A_37 : i32 to index
      %swap3A_46 = arith.constant 16 : index
      %swap3A_47 = tpu.vector_load %arg6[%swap3A_45, %swap3A_46] {strides = array<i32>} : memref<128x128xf32, #tpu.memory_space<vmem>>, vector<1x16xf32>,
      %swap3A_48 = vector.shape_cast %swap3A_47 : vector<1x16xf32> to vector<16xf32>
      %swap3A_49 = vector.shape_cast %broadcast_in_dim3A_44 : vector<16xf32> to vector<1x16xf32>
      tpu.vector_store %arg6[%swap3A_45, %swap3A_46], %swap3A_49 {strides = array<i32>} : memref<128x128xf32, #tpu.memory_space<vmem>>, vector<1x16xf32>,
      %broadcast_in_dim3A_50 = arith.constant 0.000000e+00 : f32
      %broadcast_in_dim3A_51 = vector.broadcast %broadcast_in_dim3A_50 : f32 to vector<16xf32>
      %swap3A_52 = arith.index_cast %scan3A_37 : i32 to index
      %swap3A_53 = arith.constant 32 : index
      %swap3A_54 = tpu.vector_load %arg6[%swap3A_52, %swap3A_53] {strides = array<i32>} : memref<128x128xf32, #tpu.memory_space<vmem>>, vector<1x16xf32>,
      %swap3A_55 = vector.shape_cast %swap3A_54 : vector<1x16xf32> to vector<16xf32>
      %swap3A_56 = vector.shape_cast %broadcast_in_dim3A_51 : vector<16xf32> to vector<1x16xf32>
      tpu.vector_store %arg6[%swap3A_52, %swap3A_53], %swap3A_56 {strides = array<i32>} : memref<128x128xf32, #tpu.memory_space<vmem>>, vector<1x16xf32>,
      %broadcast_in_dim3A_57 = arith.constant 0.000000e+00 : f32
      %broadcast_in_dim3A_58 = vector.broadcast %broadcast_in_dim3A_57 : f32 to vector<16xf32>
      %swap3A_59 = arith.index_cast %scan3A_37 : i32 to index
      %swap3A_60 = arith.constant 48 : index
      %swap3A_61 = tpu.vector_load %arg6[%swap3A_59, %swap3A_60] {strides = array<i32>} : memref<128x128xf32, #tpu.memory_space<vmem>>, vector<1x16xf32>,
      %swap3A_62 = vector.shape_cast %swap3A_61 : vector<1x16xf32> to vector<16xf32>
      %swap3A_63 = vector.shape_cast %broadcast_in_dim3A_58 : vector<16xf32> to vector<1x16xf32>
      tpu.vector_store %arg6[%swap3A_59, %swap3A_60], %swap3A_63 {strides = array<i32>} : memref<128x128xf32, #tpu.memory_space<vmem>>, vector<1x16xf32>,
      %broadcast_in_dim3A_64 = arith.constant 0.000000e+00 : f32
      %broadcast_in_dim3A_65 = vector.broadcast %broadcast_in_dim3A_64 : f32 to vector<16xf32>
      %swap3A_66 = arith.index_cast %scan3A_37 : i32 to index
      %swap3A_67 = arith.constant 64 : index
      %swap3A_68 = tpu.vector_load %arg6[%swap3A_66, %swap3A_67] {strides = array<i32>} : memref<128x128xf32, #tpu.memory_space<vmem>>, vector<1x16xf32>,
      %swap3A_69 = vector.shape_cast %swap3A_68 : vector<1x16xf32> to vector<16xf32>
      %swap3A_70 = vector.shape_cast %broadcast_in_dim3A_65 : vector<16xf32> to vector<1x16xf32>
      tpu.vector_store %arg6[%swap3A_66, %swap3A_67], %swap3A_70 {strides = array<i32>} : memref<128x128xf32, #tpu.memory_space<vmem>>, vector<1x16xf32>,
      %broadcast_in_dim3A_71 = arith.constant 0.000000e+00 : f32
      %broadcast_in_dim3A_72 = vector.broadcast %broadcast_in_dim3A_71 : f32 to vector<16xf32>
      %swap3A_73 = arith.index_cast %scan3A_37 : i32 to index
      %swap3A_74 = arith.constant 80 : index
      %swap3A_75 = tpu.vector_load %arg6[%swap3A_73, %swap3A_74] {strides = array<i32>} : memref<128x128xf32, #tpu.memory_space<vmem>>, vector<1x16xf32>,
      %swap3A_76 = vector.shape_cast %swap3A_75 : vector<1x16xf32> to vector<16xf32>
      %swap3A_77 = vector.shape_cast %broadcast_in_dim3A_72 : vector<16xf32> to vector<1x16xf32>
      tpu.vector_store %arg6[%swap3A_73, %swap3A_74], %swap3A_77 {strides = array<i32>} : memref<128x128xf32, #tpu.memory_space<vmem>>, vector<1x16xf32>,
      %broadcast_in_dim3A_78 = arith.constant 0.000000e+00 : f32
      %broadcast_in_dim3A_79 = vector.broadcast %broadcast_in_dim3A_78 : f32 to vector<16xf32>
      %swap3A_80 = arith.index_cast %scan3A_37 : i32 to index
      %swap3A_81 = arith.constant 96 : index
      %swap3A_82 = tpu.vector_load %arg6[%swap3A_80, %swap3A_81] {strides = array<i32>} : memref<128x128xf32, #tpu.memory_space<vmem>>, vector<1x16xf32>,
      %swap3A_83 = vector.shape_cast %swap3A_82 : vector<1x16xf32> to vector<16xf32>
      %swap3A_84 = vector.shape_cast %broadcast_in_dim3A_79 : vector<16xf32> to vector<1x16xf32>
      tpu.vector_store %arg6[%swap3A_80, %swap3A_81], %swap3A_84 {strides = array<i32>} : memref<128x128xf32, #tpu.memory_space<vmem>>, vector<1x16xf32>,
      %broadcast_in_dim3A_85 = arith.constant 0.000000e+00 : f32
      %broadcast_in_dim3A_86 = vector.broadcast %broadcast_in_dim3A_85 : f32 to vector<16xf32>
      %swap3A_87 = arith.index_cast %scan3A_37 : i32 to index
      %swap3A_88 = arith.constant 112 : index
      %swap3A_89 = tpu.vector_load %arg6[%swap3A_87, %swap3A_88] {strides = array<i32>} : memref<128x128xf32, #tpu.memory_space<vmem>>, vector<1x16xf32>,
      %swap3A_90 = vector.shape_cast %swap3A_89 : vector<1x16xf32> to vector<16xf32>
      %swap3A_91 = vector.shape_cast %broadcast_in_dim3A_86 : vector<16xf32> to vector<1x16xf32>
      tpu.vector_store %arg6[%swap3A_87, %swap3A_88], %swap3A_91 {strides = array<i32>} : memref<128x128xf32, #tpu.memory_space<vmem>>, vector<1x16xf32>,
    }
    %scan3A_6 = arith.constant 128 : i32
    %mul3A_7 = arith.constant 640 : i32
    %mul3A_8 = arith.muli %arg1, %mul3A_7 : i32
    %add3A_9 = arith.constant 0 : i32
    %add3A_10 = arith.addi %mul3A_8, %add3A_9 : i32
    "tpu.region"() ({
      %run_scoped3A = tpu.sem_alloc : memref<!tpu.dma_semaphore, #tpu.memory_space<semaphore_mem>>
      %dma_start3A = arith.constant 0 : i32
      %dma_start3A_37 = tpu.memref_slice %arg7[%add3A_10, %dma_start3A] : memref<10240x128xf32, #tpu.memory_space<vmem_shared>> -> memref<128x128xf32, #tpu.memory_space<vmem_shared>>
      %dma_start3A_38 = arith.constant 0 : i32
      %dma_start3A_39 = tpu.memref_slice %arg7[%add3A_10, %dma_start3A_38] : memref<10240x128xf32, #tpu.memory_space<vmem_shared>> -> memref<128x128xf32, #tpu.memory_space<vmem_shared>>
      tpu.enqueue_dma source(%arg6 : memref<128x128xf32, #tpu.memory_space<vmem>>) target(%dma_start3A_39 : memref<128x128xf32, #tpu.memory_space<vmem_shared>>) target_semaphore(%run_scoped3A : memref<!tpu.dma_semaphore, #tpu.memory_space<semaphore_mem>>)
      %dma_wait3A = arith.constant 0 : i32
      %dma_wait3A_40 = tpu.memref_slice %arg7[%add3A_10, %dma_wait3A] : memref<10240x128xf32, #tpu.memory_space<vmem_shared>> -> memref<128x128xf32, #tpu.memory_space<vmem_shared>>
      %dma_wait3A_41 = arith.constant 0 : i32
      %dma_wait3A_42 = tpu.memref_slice %arg7[%add3A_10, %dma_wait3A_41] : memref<10240x128xf32, #tpu.memory_space<vmem_shared>> -> memref<128x128xf32, #tpu.memory_space<vmem_shared>>
      tpu.wait_dma2 semaphore(%run_scoped3A : memref<!tpu.dma_semaphore, #tpu.memory_space<semaphore_mem>>) src(%arg6 : memref<128x128xf32, #tpu.memory_space<vmem>>) dst(%dma_wait3A_42 : memref<128x128xf32, #tpu.memory_space<vmem_shared>>)
      tpu.yield
    }) : () -> ()
    %mul3A_11 = arith.constant 640 : i32
    %mul3A_12 = arith.muli %arg1, %mul3A_11 : i32
    %add3A_13 = arith.constant 128 : i32
    %add3A_14 = arith.addi %mul3A_12, %add3A_13 : i32
    "tpu.region"() ({
      %run_scoped3A = tpu.sem_alloc : memref<!tpu.dma_semaphore, #tpu.memory_space<semaphore_mem>>
      %dma_start3A = arith.constant 0 : i32
      %dma_start3A_37 = tpu.memref_slice %arg7[%add3A_14, %dma_start3A] : memref<10240x128xf32, #tpu.memory_space<vmem_shared>> -> memref<128x128xf32, #tpu.memory_space<vmem_shared>>
      %dma_start3A_38 = arith.constant 0 : i32
      %dma_start3A_39 = tpu.memref_slice %arg7[%add3A_14, %dma_start3A_38] : memref<10240x128xf32, #tpu.memory_space<vmem_shared>> -> memref<128x128xf32, #tpu.memory_space<vmem_shared>>
      tpu.enqueue_dma source(%arg6 : memref<128x128xf32, #tpu.memory_space<vmem>>) target(%dma_start3A_39 : memref<128x128xf32, #tpu.memory_space<vmem_shared>>) target_semaphore(%run_scoped3A : memref<!tpu.dma_semaphore, #tpu.memory_space<semaphore_mem>>)
      %dma_wait3A = arith.constant 0 : i32
      %dma_wait3A_40 = tpu.memref_slice %arg7[%add3A_14, %dma_wait3A] : memref<10240x128xf32, #tpu.memory_space<vmem_shared>> -> memref<128x128xf32, #tpu.memory_space<vmem_shared>>
      %dma_wait3A_41 = arith.constant 0 : i32
      %dma_wait3A_42 = tpu.memref_slice %arg7[%add3A_14, %dma_wait3A_41] : memref<10240x128xf32, #tpu.memory_space<vmem_shared>> -> memref<128x128xf32, #tpu.memory_space<vmem_shared>>
      tpu.wait_dma2 semaphore(%run_scoped3A : memref<!tpu.dma_semaphore, #tpu.memory_space<semaphore_mem>>) src(%arg6 : memref<128x128xf32, #tpu.memory_space<vmem>>) dst(%dma_wait3A_42 : memref<128x128xf32, #tpu.memory_space<vmem_shared>>)
      tpu.yield
    }) : () -> ()
    %mul3A_15 = arith.constant 640 : i32
    %mul3A_16 = arith.muli %arg1, %mul3A_15 : i32
    %add3A_17 = arith.constant 256 : i32
    %add3A_18 = arith.addi %mul3A_16, %add3A_17 : i32
    "tpu.region"() ({
      %run_scoped3A = tpu.sem_alloc : memref<!tpu.dma_semaphore, #tpu.memory_space<semaphore_mem>>
      %dma_start3A = arith.constant 0 : i32
      %dma_start3A_37 = tpu.memref_slice %arg7[%add3A_18, %dma_start3A] : memref<10240x128xf32, #tpu.memory_space<vmem_shared>> -> memref<128x128xf32, #tpu.memory_space<vmem_shared>>
      %dma_start3A_38 = arith.constant 0 : i32
      %dma_start3A_39 = tpu.memref_slice %arg7[%add3A_18, %dma_start3A_38] : memref<10240x128xf32, #tpu.memory_space<vmem_shared>> -> memref<128x128xf32, #tpu.memory_space<vmem_shared>>
      tpu.enqueue_dma source(%arg6 : memref<128x128xf32, #tpu.memory_space<vmem>>) target(%dma_start3A_39 : memref<128x128xf32, #tpu.memory_space<vmem_shared>>) target_semaphore(%run_scoped3A : memref<!tpu.dma_semaphore, #tpu.memory_space<semaphore_mem>>)
      %dma_wait3A = arith.constant 0 : i32
      %dma_wait3A_40 = tpu.memref_slice %arg7[%add3A_18, %dma_wait3A] : memref<10240x128xf32, #tpu.memory_space<vmem_shared>> -> memref<128x128xf32, #tpu.memory_space<vmem_shared>>
      %dma_wait3A_41 = arith.constant 0 : i32
      %dma_wait3A_42 = tpu.memref_slice %arg7[%add3A_18, %dma_wait3A_41] : memref<10240x128xf32, #tpu.memory_space<vmem_shared>> -> memref<128x128xf32, #tpu.memory_space<vmem_shared>>
      tpu.wait_dma2 semaphore(%run_scoped3A : memref<!tpu.dma_semaphore, #tpu.memory_space<semaphore_mem>>) src(%arg6 : memref<128x128xf32, #tpu.memory_space<vmem>>) dst(%dma_wait3A_42 : memref<128x128xf32, #tpu.memory_space<vmem_shared>>)
      tpu.yield
    }) : () -> ()
    %mul3A_19 = arith.constant 640 : i32
    %mul3A_20 = arith.muli %arg1, %mul3A_19 : i32
    %add3A_21 = arith.constant 384 : i32
    %add3A_22 = arith.addi %mul3A_20, %add3A_21 : i32
    "tpu.region"() ({
      %run_scoped3A = tpu.sem_alloc : memref<!tpu.dma_semaphore, #tpu.memory_space<semaphore_mem>>
      %dma_start3A = arith.constant 0 : i32
      %dma_start3A_37 = tpu.memref_slice %arg7[%add3A_22, %dma_start3A] : memref<10240x128xf32, #tpu.memory_space<vmem_shared>> -> memref<128x128xf32, #tpu.memory_space<vmem_shared>>
      %dma_start3A_38 = arith.constant 0 : i32
      %dma_start3A_39 = tpu.memref_slice %arg7[%add3A_22, %dma_start3A_38] : memref<10240x128xf32, #tpu.memory_space<vmem_shared>> -> memref<128x128xf32, #tpu.memory_space<vmem_shared>>
      tpu.enqueue_dma source(%arg6 : memref<128x128xf32, #tpu.memory_space<vmem>>) target(%dma_start3A_39 : memref<128x128xf32, #tpu.memory_space<vmem_shared>>) target_semaphore(%run_scoped3A : memref<!tpu.dma_semaphore, #tpu.memory_space<semaphore_mem>>)
      %dma_wait3A = arith.constant 0 : i32
      %dma_wait3A_40 = tpu.memref_slice %arg7[%add3A_22, %dma_wait3A] : memref<10240x128xf32, #tpu.memory_space<vmem_shared>> -> memref<128x128xf32, #tpu.memory_space<vmem_shared>>
      %dma_wait3A_41 = arith.constant 0 : i32
      %dma_wait3A_42 = tpu.memref_slice %arg7[%add3A_22, %dma_wait3A_41] : memref<10240x128xf32, #tpu.memory_space<vmem_shared>> -> memref<128x128xf32, #tpu.memory_space<vmem_shared>>
      tpu.wait_dma2 semaphore(%run_scoped3A : memref<!tpu.dma_semaphore, #tpu.memory_space<semaphore_mem>>) src(%arg6 : memref<128x128xf32, #tpu.memory_space<vmem>>) dst(%dma_wait3A_42 : memref<128x128xf32, #tpu.memory_space<vmem_shared>>)
      tpu.yield
    }) : () -> ()
    %mul3A_23 = arith.constant 640 : i32
    %mul3A_24 = arith.muli %arg1, %mul3A_23 : i32
    %add3A_25 = arith.constant 512 : i32
    %add3A_26 = arith.addi %mul3A_24, %add3A_25 : i32
    "tpu.region"() ({
      %run_scoped3A = tpu.sem_alloc : memref<!tpu.dma_semaphore, #tpu.memory_space<semaphore_mem>>
      %dma_start3A = arith.constant 0 : i32
      %dma_start3A_37 = tpu.memref_slice %arg7[%add3A_26, %dma_start3A] : memref<10240x128xf32, #tpu.memory_space<vmem_shared>> -> memref<128x128xf32, #tpu.memory_space<vmem_shared>>
      %dma_start3A_38 = arith.constant 0 : i32
      %dma_start3A_39 = tpu.memref_slice %arg7[%add3A_26, %dma_start3A_38] : memref<10240x128xf32, #tpu.memory_space<vmem_shared>> -> memref<128x128xf32, #tpu.memory_space<vmem_shared>>
      tpu.enqueue_dma source(%arg6 : memref<128x128xf32, #tpu.memory_space<vmem>>) target(%dma_start3A_39 : memref<128x128xf32, #tpu.memory_space<vmem_shared>>) target_semaphore(%run_scoped3A : memref<!tpu.dma_semaphore, #tpu.memory_space<semaphore_mem>>)
      %dma_wait3A = arith.constant 0 : i32
      %dma_wait3A_40 = tpu.memref_slice %arg7[%add3A_26, %dma_wait3A] : memref<10240x128xf32, #tpu.memory_space<vmem_shared>> -> memref<128x128xf32, #tpu.memory_space<vmem_shared>>
      %dma_wait3A_41 = arith.constant 0 : i32
      %dma_wait3A_42 = tpu.memref_slice %arg7[%add3A_26, %dma_wait3A_41] : memref<10240x128xf32, #tpu.memory_space<vmem_shared>> -> memref<128x128xf32, #tpu.memory_space<vmem_shared>>
      tpu.wait_dma2 semaphore(%run_scoped3A : memref<!tpu.dma_semaphore, #tpu.memory_space<semaphore_mem>>) src(%arg6 : memref<128x128xf32, #tpu.memory_space<vmem>>) dst(%dma_wait3A_42 : memref<128x128xf32, #tpu.memory_space<vmem_shared>>)
      tpu.yield
    }) : () -> ()
    %barrier3A = arith.constant 0 : index
    tpu.barrier barrier_id(%barrier3A)
    %scan3A_27 = arith.constant 0 : i32
    %scan3A_28 = arith.constant 80 : i32
    %scan3A_29 = arith.addi %scan3A_27, %scan3A_28 : i32
    %scan3A_30 = arith.constant 1 : i32
    scf.for %scan3A_37 = %scan3A_27 to %scan3A_29 step %scan3A_30  : i32 {
      %add3A_38 = arith.addi %mul3A_2, %scan3A_37 : i32
      "tpu.region"() ({
        %run_scoped3A_51 = tpu.sem_alloc : memref<!tpu.dma_semaphore, #tpu.memory_space<semaphore_mem>>
        %dma_start3A_52 = arith.constant 0 : i32
        %dma_start3A_53 = arith.constant 0 : i32
        %dma_start3A_54 = tpu.memref_slice %arg3[%add3A_38, %dma_start3A_52, %dma_start3A_53] : memref<2560x2x128xi32, #tpu.memory_space<hbm>> -> memref<1x2x128xi32, #tpu.memory_space<hbm>>
        %dma_start3A_55 = tpu.memref_squeeze %dma_start3A_54 : memref<1x2x128xi32, #tpu.memory_space<hbm>> -> memref<2x128xi32, #tpu.memory_space<hbm>>
        %dma_start3A_56 = arith.constant 0 : i32
        %dma_start3A_57 = arith.constant 0 : i32
        %dma_start3A_58 = tpu.memref_slice %arg3[%add3A_38, %dma_start3A_56, %dma_start3A_57] : memref<2560x2x128xi32, #tpu.memory_space<hbm>> -> memref<1x2x128xi32, #tpu.memory_space<hbm>>
        %dma_start3A_59 = tpu.memref_squeeze %dma_start3A_58 : memref<1x2x128xi32, #tpu.memory_space<hbm>> -> memref<2x128xi32, #tpu.memory_space<hbm>>
        tpu.enqueue_dma source(%dma_start3A_59 : memref<2x128xi32, #tpu.memory_space<hbm>>) target(%arg5 : memref<2x128xi32, #tpu.memory_space<vmem>>) target_semaphore(%run_scoped3A_51 : memref<!tpu.dma_semaphore, #tpu.memory_space<semaphore_mem>>)
        %dma_wait3A_60 = arith.constant 0 : i32
        %dma_wait3A_61 = arith.constant 0 : i32
        %dma_wait3A_62 = tpu.memref_slice %arg3[%add3A_38, %dma_wait3A_60, %dma_wait3A_61] : memref<2560x2x128xi32, #tpu.memory_space<hbm>> -> memref<1x2x128xi32, #tpu.memory_space<hbm>>
        %dma_wait3A_63 = tpu.memref_squeeze %dma_wait3A_62 : memref<1x2x128xi32, #tpu.memory_space<hbm>> -> memref<2x128xi32, #tpu.memory_space<hbm>>
        %dma_wait3A_64 = arith.constant 0 : i32
        %dma_wait3A_65 = arith.constant 0 : i32
        %dma_wait3A_66 = tpu.memref_slice %arg3[%add3A_38, %dma_wait3A_64, %dma_wait3A_65] : memref<2560x2x128xi32, #tpu.memory_space<hbm>> -> memref<1x2x128xi32, #tpu.memory_space<hbm>>
        %dma_wait3A_67 = tpu.memref_squeeze %dma_wait3A_66 : memref<1x2x128xi32, #tpu.memory_space<hbm>> -> memref<2x128xi32, #tpu.memory_space<hbm>>
        tpu.wait_dma2 semaphore(%run_scoped3A_51 : memref<!tpu.dma_semaphore, #tpu.memory_space<semaphore_mem>>) src(%dma_wait3A_67 : memref<2x128xi32, #tpu.memory_space<hbm>>) dst(%arg5 : memref<2x128xi32, #tpu.memory_space<vmem>>)
        tpu.yield
      }) : () -> ()
      %dma_start3A = arith.constant 0 : i32
      %dma_start3A_39 = arith.constant 0 : i32
      %dma_start3A_40 = tpu.memref_slice %arg5[%dma_start3A, %dma_start3A_39] : memref<2x128xi32, #tpu.memory_space<vmem>> -> memref<1x128xi32, #tpu.memory_space<vmem>>
      %dma_start3A_41 = tpu.memref_squeeze %dma_start3A_40 : memref<1x128xi32, #tpu.memory_space<vmem>> -> memref<128xi32, #tpu.memory_space<vmem>>
      %dma_start3A_42 = arith.constant 0 : i32
      %dma_start3A_43 = arith.constant 0 : i32
      %dma_start3A_44 = tpu.memref_slice %arg2[%dma_start3A_42, %dma_start3A_43] : memref<10240x128xf32, #tpu.memory_space<hbm>> -> memref<10240x128xf32, #tpu.memory_space<hbm>>
      tpu.enqueue_indirect_dma source(%dma_start3A_44 : memref<10240x128xf32, #tpu.memory_space<hbm>>) target(%arg6 : memref<128x128xf32, #tpu.memory_space<vmem>>) offsets(%dma_start3A_41 : memref<128xi32, #tpu.memory_space<vmem>>) semaphore(%arg8 : memref<!tpu.dma_semaphore, #tpu.memory_space<semaphore_mem>>)
      %dma_wait3A = arith.constant 0 : i32
      %dma_wait3A_45 = arith.constant 0 : i32
      %dma_wait3A_46 = tpu.memref_slice %arg5[%dma_wait3A, %dma_wait3A_45] : memref<2x128xi32, #tpu.memory_space<vmem>> -> memref<1x128xi32, #tpu.memory_space<vmem>>
      %dma_wait3A_47 = tpu.memref_squeeze %dma_wait3A_46 : memref<1x128xi32, #tpu.memory_space<vmem>> -> memref<128xi32, #tpu.memory_space<vmem>>
      %dma_wait3A_48 = arith.constant 0 : i32
      %dma_wait3A_49 = arith.constant 0 : i32
      %dma_wait3A_50 = tpu.memref_slice %arg2[%dma_wait3A_48, %dma_wait3A_49] : memref<10240x128xf32, #tpu.memory_space<hbm>> -> memref<10240x128xf32, #tpu.memory_space<hbm>>
      tpu.wait_indirect_dma semaphore(%arg8 : memref<!tpu.dma_semaphore, #tpu.memory_space<semaphore_mem>>) src(%dma_wait3A_50 : memref<10240x128xf32, #tpu.memory_space<hbm>>) dst(%arg6 : memref<128x128xf32, #tpu.memory_space<vmem>>)
      %run_scoped3A = arith.constant 1 : i32
      "tpu.region"() ({
        %run_scoped3A_51 = tpu.sem_alloc : memref<!tpu.dma_semaphore, #tpu.memory_space<semaphore_mem>>
        %dma_start3A_52 = arith.constant 0 : i32
        %dma_start3A_53 = tpu.memref_slice %arg5[%run_scoped3A, %dma_start3A_52] : memref<2x128xi32, #tpu.memory_space<vmem>> -> memref<1x128xi32, #tpu.memory_space<vmem>>
        %dma_start3A_54 = tpu.memref_squeeze %dma_start3A_53 : memref<1x128xi32, #tpu.memory_space<vmem>> -> memref<128xi32, #tpu.memory_space<vmem>>
        %dma_start3A_55 = arith.constant 0 : i32
        %dma_start3A_56 = arith.constant 0 : i32
        %dma_start3A_57 = tpu.memref_slice %arg7[%dma_start3A_55, %dma_start3A_56] : memref<10240x128xf32, #tpu.memory_space<vmem_shared>> -> memref<10240x128xf32, #tpu.memory_space<vmem_shared>>
        tpu.enqueue_indirect_dma source(%arg6 : memref<128x128xf32, #tpu.memory_space<vmem>>) target(%dma_start3A_57 : memref<10240x128xf32, #tpu.memory_space<vmem_shared>>) offsets(%dma_start3A_54 : memref<128xi32, #tpu.memory_space<vmem>>) semaphore(%run_scoped3A_51 : memref<!tpu.dma_semaphore, #tpu.memory_space<semaphore_mem>>) {add = true}
        %dma_wait3A_58 = arith.constant 0 : i32
        %dma_wait3A_59 = tpu.memref_slice %arg5[%run_scoped3A, %dma_wait3A_58] : memref<2x128xi32, #tpu.memory_space<vmem>> -> memref<1x128xi32, #tpu.memory_space<vmem>>
        %dma_wait3A_60 = tpu.memref_squeeze %dma_wait3A_59 : memref<1x128xi32, #tpu.memory_space<vmem>> -> memref<128xi32, #tpu.memory_space<vmem>>
        %dma_wait3A_61 = arith.constant 0 : i32
        %dma_wait3A_62 = arith.constant 0 : i32
        %dma_wait3A_63 = tpu.memref_slice %arg7[%dma_wait3A_61, %dma_wait3A_62] : memref<10240x128xf32, #tpu.memory_space<vmem_shared>> -> memref<10240x128xf32, #tpu.memory_space<vmem_shared>>
        tpu.wait_indirect_dma semaphore(%run_scoped3A_51 : memref<!tpu.dma_semaphore, #tpu.memory_space<semaphore_mem>>) src(%arg6 : memref<128x128xf32, #tpu.memory_space<vmem>>) dst(%dma_wait3A_63 : memref<10240x128xf32, #tpu.memory_space<vmem_shared>>)
        tpu.yield
      }) : () -> ()
    }
    %scan3A_31 = arith.constant 80 : i32
    %barrier3A_32 = arith.constant 0 : index
    tpu.barrier barrier_id(%barrier3A_32)
    %mul3A_33 = arith.constant 640 : i32
    %mul3A_34 = arith.muli %arg1, %mul3A_33 : i32
    %mul3A_35 = arith.constant 640 : i32
    %mul3A_36 = arith.muli %arg1, %mul3A_35 : i32
    "tpu.region"() ({
      %run_scoped3A = tpu.sem_alloc : memref<!tpu.dma_semaphore, #tpu.memory_space<semaphore_mem>>
      %dma_start3A = arith.constant 0 : i32
      %dma_start3A_37 = tpu.memref_slice %arg4[%arg0, %mul3A_36, %dma_start3A] : memref<2x10240x128xf32, #tpu.memory_space<hbm>> -> memref<1x640x128xf32, #tpu.memory_space<hbm>>
      %dma_start3A_38 = tpu.memref_squeeze %dma_start3A_37 : memref<1x640x128xf32, #tpu.memory_space<hbm>> -> memref<640x128xf32, #tpu.memory_space<hbm>>
      %dma_start3A_39 = arith.constant 0 : i32
      %dma_start3A_40 = tpu.memref_slice %arg7[%mul3A_34, %dma_start3A_39] : memref<10240x128xf32, #tpu.memory_space<vmem_shared>> -> memref<640x128xf32, #tpu.memory_space<vmem_shared>>
      tpu.enqueue_dma source(%dma_start3A_40 : memref<640x128xf32, #tpu.memory_space<vmem_shared>>) target(%dma_start3A_38 : memref<640x128xf32, #tpu.memory_space<hbm>>) target_semaphore(%run_scoped3A : memref<!tpu.dma_semaphore, #tpu.memory_space<semaphore_mem>>)
      %dma_wait3A = arith.constant 0 : i32
      %dma_wait3A_41 = tpu.memref_slice %arg4[%arg0, %mul3A_36, %dma_wait3A] : memref<2x10240x128xf32, #tpu.memory_space<hbm>> -> memref<1x640x128xf32, #tpu.memory_space<hbm>>
      %dma_wait3A_42 = tpu.memref_squeeze %dma_wait3A_41 : memref<1x640x128xf32, #tpu.memory_space<hbm>> -> memref<640x128xf32, #tpu.memory_space<hbm>>
      %dma_wait3A_43 = arith.constant 0 : i32
      %dma_wait3A_44 = tpu.memref_slice %arg7[%mul3A_34, %dma_wait3A_43] : memref<10240x128xf32, #tpu.memory_space<vmem_shared>> -> memref<640x128xf32, #tpu.memory_space<vmem_shared>>
      tpu.wait_dma2 semaphore(%run_scoped3A : memref<!tpu.dma_semaphore, #tpu.memory_space<semaphore_mem>>) src(%dma_wait3A_44 : memref<640x128xf32, #tpu.memory_space<vmem_shared>>) dst(%dma_wait3A_42 : memref<640x128xf32, #tpu.memory_space<hbm>>)
      tpu.yield
    }) : () -> ()
    return
  }
}

#map = affine_map<(d0, d1) -> (0, 0)>
#map1 = affine_map<(d0, d1) -> (0, 0, 0)>
module attributes {stable_mosaic.version = 14 : i64} {
  func.func @_sc_spmm(%arg0: i32, %arg1: i32, %arg2: memref<10240x128xf32, #tpu.memory_space<hbm>>, %arg3: memref<2560x2x128xi32, #tpu.memory_space<hbm>>, %arg4: memref<2x10240x128xf32, #tpu.memory_space<hbm>>, %arg5: memref<2x128xi32, #tpu.memory_space<vmem>>, %arg6: memref<128x128xf32, #tpu.memory_space<vmem>>, %arg7: memref<10240x128xf32, #tpu.memory_space<vmem_shared>>, %arg8: memref<!tpu.dma_semaphore, #tpu.memory_space<semaphore_mem>>) attributes {dimension_semantics = [#tpu.dimension_semantics<core_parallel>, #tpu.dimension_semantics<subcore_parallel>], iteration_bounds = array<i64: 2, 16>, scalar_prefetch = 0 : i64, scratch_operands = 4 : i64, tpu.core_type = #tpu.core_type<sc_vector_subcore>, window_params = [{transform_indices = #map}, {transform_indices = #map1}, {transform_indices = #map1}]} {
    %mul3A = arith.constant 16 : i32
    %mul3A_0 = arith.muli %arg0, %mul3A : i32
    %add3A = arith.addi %mul3A_0, %arg1 : i32
    %mul3A_1 = arith.constant 80 : i32
    %mul3A_2 = arith.muli %add3A, %mul3A_1 : i32
    %scan3A = arith.constant 0 : i32
    %scan3A_3 = arith.constant 128 : i32
    %scan3A_4 = arith.addi %scan3A, %scan3A_3 : i32
    %scan3A_5 = arith.constant 1 : i32
    scf.for %scan3A_37 = %scan3A to %scan3A_4 step %scan3A_5  : i32 {
      %broadcast_in_dim3A = arith.constant 0.000000e+00 : f32
      %broadcast_in_dim3A_38 = vector.broadcast %broadcast_in_dim3A : f32 to vector<16xf32>
      %swap3A = arith.index_cast %scan3A_37 : i32 to index
      %swap3A_39 = arith.constant 0 : index
      %swap3A_40 = tpu.vector_load %arg6[%swap3A, %swap3A_39] {strides = array<i32>} : memref<128x128xf32, #tpu.memory_space<vmem>>, vector<1x16xf32>,
      %swap3A_41 = vector.shape_cast %swap3A_40 : vector<1x16xf32> to vector<16xf32>
      %swap3A_42 = vector.shape_cast %broadcast_in_dim3A_38 : vector<16xf32> to vector<1x16xf32>
      tpu.vector_store %arg6[%swap3A, %swap3A_39], %swap3A_42 {strides = array<i32>} : memref<128x128xf32, #tpu.memory_space<vmem>>, vector<1x16xf32>,
      %broadcast_in_dim3A_43 = arith.constant 0.000000e+00 : f32
      %broadcast_in_dim3A_44 = vector.broadcast %broadcast_in_dim3A_43 : f32 to vector<16xf32>
      %swap3A_45 = arith.index_cast %scan3A_37 : i32 to index
      %swap3A_46 = arith.constant 16 : index
      %swap3A_47 = tpu.vector_load %arg6[%swap3A_45, %swap3A_46] {strides = array<i32>} : memref<128x128xf32, #tpu.memory_space<vmem>>, vector<1x16xf32>,
      %swap3A_48 = vector.shape_cast %swap3A_47 : vector<1x16xf32> to vector<16xf32>
      %swap3A_49 = vector.shape_cast %broadcast_in_dim3A_44 : vector<16xf32> to vector<1x16xf32>
      tpu.vector_store %arg6[%swap3A_45, %swap3A_46], %swap3A_49 {strides = array<i32>} : memref<128x128xf32, #tpu.memory_space<vmem>>, vector<1x16xf32>,
      %broadcast_in_dim3A_50 = arith.constant 0.000000e+00 : f32
      %broadcast_in_dim3A_51 = vector.broadcast %broadcast_in_dim3A_50 : f32 to vector<16xf32>
      %swap3A_52 = arith.index_cast %scan3A_37 : i32 to index
      %swap3A_53 = arith.constant 32 : index
      %swap3A_54 = tpu.vector_load %arg6[%swap3A_52, %swap3A_53] {strides = array<i32>} : memref<128x128xf32, #tpu.memory_space<vmem>>, vector<1x16xf32>,
      %swap3A_55 = vector.shape_cast %swap3A_54 : vector<1x16xf32> to vector<16xf32>
      %swap3A_56 = vector.shape_cast %broadcast_in_dim3A_51 : vector<16xf32> to vector<1x16xf32>
      tpu.vector_store %arg6[%swap3A_52, %swap3A_53], %swap3A_56 {strides = array<i32>} : memref<128x128xf32, #tpu.memory_space<vmem>>, vector<1x16xf32>,
      %broadcast_in_dim3A_57 = arith.constant 0.000000e+00 : f32
      %broadcast_in_dim3A_58 = vector.broadcast %broadcast_in_dim3A_57 : f32 to vector<16xf32>
      %swap3A_59 = arith.index_cast %scan3A_37 : i32 to index
      %swap3A_60 = arith.constant 48 : index
      %swap3A_61 = tpu.vector_load %arg6[%swap3A_59, %swap3A_60] {strides = array<i32>} : memref<128x128xf32, #tpu.memory_space<vmem>>, vector<1x16xf32>,
      %swap3A_62 = vector.shape_cast %swap3A_61 : vector<1x16xf32> to vector<16xf32>
      %swap3A_63 = vector.shape_cast %broadcast_in_dim3A_58 : vector<16xf32> to vector<1x16xf32>
      tpu.vector_store %arg6[%swap3A_59, %swap3A_60], %swap3A_63 {strides = array<i32>} : memref<128x128xf32, #tpu.memory_space<vmem>>, vector<1x16xf32>,
      %broadcast_in_dim3A_64 = arith.constant 0.000000e+00 : f32
      %broadcast_in_dim3A_65 = vector.broadcast %broadcast_in_dim3A_64 : f32 to vector<16xf32>
      %swap3A_66 = arith.index_cast %scan3A_37 : i32 to index
      %swap3A_67 = arith.constant 64 : index
      %swap3A_68 = tpu.vector_load %arg6[%swap3A_66, %swap3A_67] {strides = array<i32>} : memref<128x128xf32, #tpu.memory_space<vmem>>, vector<1x16xf32>,
      %swap3A_69 = vector.shape_cast %swap3A_68 : vector<1x16xf32> to vector<16xf32>
      %swap3A_70 = vector.shape_cast %broadcast_in_dim3A_65 : vector<16xf32> to vector<1x16xf32>
      tpu.vector_store %arg6[%swap3A_66, %swap3A_67], %swap3A_70 {strides = array<i32>} : memref<128x128xf32, #tpu.memory_space<vmem>>, vector<1x16xf32>,
      %broadcast_in_dim3A_71 = arith.constant 0.000000e+00 : f32
      %broadcast_in_dim3A_72 = vector.broadcast %broadcast_in_dim3A_71 : f32 to vector<16xf32>
      %swap3A_73 = arith.index_cast %scan3A_37 : i32 to index
      %swap3A_74 = arith.constant 80 : index
      %swap3A_75 = tpu.vector_load %arg6[%swap3A_73, %swap3A_74] {strides = array<i32>} : memref<128x128xf32, #tpu.memory_space<vmem>>, vector<1x16xf32>,
      %swap3A_76 = vector.shape_cast %swap3A_75 : vector<1x16xf32> to vector<16xf32>
      %swap3A_77 = vector.shape_cast %broadcast_in_dim3A_72 : vector<16xf32> to vector<1x16xf32>
      tpu.vector_store %arg6[%swap3A_73, %swap3A_74], %swap3A_77 {strides = array<i32>} : memref<128x128xf32, #tpu.memory_space<vmem>>, vector<1x16xf32>,
      %broadcast_in_dim3A_78 = arith.constant 0.000000e+00 : f32
      %broadcast_in_dim3A_79 = vector.broadcast %broadcast_in_dim3A_78 : f32 to vector<16xf32>
      %swap3A_80 = arith.index_cast %scan3A_37 : i32 to index
      %swap3A_81 = arith.constant 96 : index
      %swap3A_82 = tpu.vector_load %arg6[%swap3A_80, %swap3A_81] {strides = array<i32>} : memref<128x128xf32, #tpu.memory_space<vmem>>, vector<1x16xf32>,
      %swap3A_83 = vector.shape_cast %swap3A_82 : vector<1x16xf32> to vector<16xf32>
      %swap3A_84 = vector.shape_cast %broadcast_in_dim3A_79 : vector<16xf32> to vector<1x16xf32>
      tpu.vector_store %arg6[%swap3A_80, %swap3A_81], %swap3A_84 {strides = array<i32>} : memref<128x128xf32, #tpu.memory_space<vmem>>, vector<1x16xf32>,
      %broadcast_in_dim3A_85 = arith.constant 0.000000e+00 : f32
      %broadcast_in_dim3A_86 = vector.broadcast %broadcast_in_dim3A_85 : f32 to vector<16xf32>
      %swap3A_87 = arith.index_cast %scan3A_37 : i32 to index
      %swap3A_88 = arith.constant 112 : index
      %swap3A_89 = tpu.vector_load %arg6[%swap3A_87, %swap3A_88] {strides = array<i32>} : memref<128x128xf32, #tpu.memory_space<vmem>>, vector<1x16xf32>,
      %swap3A_90 = vector.shape_cast %swap3A_89 : vector<1x16xf32> to vector<16xf32>
      %swap3A_91 = vector.shape_cast %broadcast_in_dim3A_86 : vector<16xf32> to vector<1x16xf32>
      tpu.vector_store %arg6[%swap3A_87, %swap3A_88], %swap3A_91 {strides = array<i32>} : memref<128x128xf32, #tpu.memory_space<vmem>>, vector<1x16xf32>,
    }
    %scan3A_6 = arith.constant 128 : i32
    %mul3A_7 = arith.constant 640 : i32
    %mul3A_8 = arith.muli %arg1, %mul3A_7 : i32
    %add3A_9 = arith.constant 0 : i32
    %add3A_10 = arith.addi %mul3A_8, %add3A_9 : i32
    "tpu.region"() ({
      %run_scoped3A = tpu.sem_alloc : memref<!tpu.dma_semaphore, #tpu.memory_space<semaphore_mem>>
      %dma_start3A = arith.constant 0 : i32
      %dma_start3A_37 = tpu.memref_slice %arg7[%add3A_10, %dma_start3A] : memref<10240x128xf32, #tpu.memory_space<vmem_shared>> -> memref<128x128xf32, #tpu.memory_space<vmem_shared>>
      %dma_start3A_38 = arith.constant 0 : i32
      %dma_start3A_39 = tpu.memref_slice %arg7[%add3A_10, %dma_start3A_38] : memref<10240x128xf32, #tpu.memory_space<vmem_shared>> -> memref<128x128xf32, #tpu.memory_space<vmem_shared>>
      tpu.enqueue_dma source(%arg6 : memref<128x128xf32, #tpu.memory_space<vmem>>) target(%dma_start3A_39 : memref<128x128xf32, #tpu.memory_space<vmem_shared>>) target_semaphore(%run_scoped3A : memref<!tpu.dma_semaphore, #tpu.memory_space<semaphore_mem>>)
      %dma_wait3A = arith.constant 0 : i32
      %dma_wait3A_40 = tpu.memref_slice %arg7[%add3A_10, %dma_wait3A] : memref<10240x128xf32, #tpu.memory_space<vmem_shared>> -> memref<128x128xf32, #tpu.memory_space<vmem_shared>>
      %dma_wait3A_41 = arith.constant 0 : i32
      %dma_wait3A_42 = tpu.memref_slice %arg7[%add3A_10, %dma_wait3A_41] : memref<10240x128xf32, #tpu.memory_space<vmem_shared>> -> memref<128x128xf32, #tpu.memory_space<vmem_shared>>
      tpu.wait_dma2 semaphore(%run_scoped3A : memref<!tpu.dma_semaphore, #tpu.memory_space<semaphore_mem>>) src(%arg6 : memref<128x128xf32, #tpu.memory_space<vmem>>) dst(%dma_wait3A_42 : memref<128x128xf32, #tpu.memory_space<vmem_shared>>)
      tpu.yield
    }) : () -> ()
    %mul3A_11 = arith.constant 640 : i32
    %mul3A_12 = arith.muli %arg1, %mul3A_11 : i32
    %add3A_13 = arith.constant 128 : i32
    %add3A_14 = arith.addi %mul3A_12, %add3A_13 : i32
    "tpu.region"() ({
      %run_scoped3A = tpu.sem_alloc : memref<!tpu.dma_semaphore, #tpu.memory_space<semaphore_mem>>
      %dma_start3A = arith.constant 0 : i32
      %dma_start3A_37 = tpu.memref_slice %arg7[%add3A_14, %dma_start3A] : memref<10240x128xf32, #tpu.memory_space<vmem_shared>> -> memref<128x128xf32, #tpu.memory_space<vmem_shared>>
      %dma_start3A_38 = arith.constant 0 : i32
      %dma_start3A_39 = tpu.memref_slice %arg7[%add3A_14, %dma_start3A_38] : memref<10240x128xf32, #tpu.memory_space<vmem_shared>> -> memref<128x128xf32, #tpu.memory_space<vmem_shared>>
      tpu.enqueue_dma source(%arg6 : memref<128x128xf32, #tpu.memory_space<vmem>>) target(%dma_start3A_39 : memref<128x128xf32, #tpu.memory_space<vmem_shared>>) target_semaphore(%run_scoped3A : memref<!tpu.dma_semaphore, #tpu.memory_space<semaphore_mem>>)
      %dma_wait3A = arith.constant 0 : i32
      %dma_wait3A_40 = tpu.memref_slice %arg7[%add3A_14, %dma_wait3A] : memref<10240x128xf32, #tpu.memory_space<vmem_shared>> -> memref<128x128xf32, #tpu.memory_space<vmem_shared>>
      %dma_wait3A_41 = arith.constant 0 : i32
      %dma_wait3A_42 = tpu.memref_slice %arg7[%add3A_14, %dma_wait3A_41] : memref<10240x128xf32, #tpu.memory_space<vmem_shared>> -> memref<128x128xf32, #tpu.memory_space<vmem_shared>>
      tpu.wait_dma2 semaphore(%run_scoped3A : memref<!tpu.dma_semaphore, #tpu.memory_space<semaphore_mem>>) src(%arg6 : memref<128x128xf32, #tpu.memory_space<vmem>>) dst(%dma_wait3A_42 : memref<128x128xf32, #tpu.memory_space<vmem_shared>>)
      tpu.yield
    }) : () -> ()
    %mul3A_15 = arith.constant 640 : i32
    %mul3A_16 = arith.muli %arg1, %mul3A_15 : i32
    %add3A_17 = arith.constant 256 : i32
    %add3A_18 = arith.addi %mul3A_16, %add3A_17 : i32
    "tpu.region"() ({
      %run_scoped3A = tpu.sem_alloc : memref<!tpu.dma_semaphore, #tpu.memory_space<semaphore_mem>>
      %dma_start3A = arith.constant 0 : i32
      %dma_start3A_37 = tpu.memref_slice %arg7[%add3A_18, %dma_start3A] : memref<10240x128xf32, #tpu.memory_space<vmem_shared>> -> memref<128x128xf32, #tpu.memory_space<vmem_shared>>
      %dma_start3A_38 = arith.constant 0 : i32
      %dma_start3A_39 = tpu.memref_slice %arg7[%add3A_18, %dma_start3A_38] : memref<10240x128xf32, #tpu.memory_space<vmem_shared>> -> memref<128x128xf32, #tpu.memory_space<vmem_shared>>
      tpu.enqueue_dma source(%arg6 : memref<128x128xf32, #tpu.memory_space<vmem>>) target(%dma_start3A_39 : memref<128x128xf32, #tpu.memory_space<vmem_shared>>) target_semaphore(%run_scoped3A : memref<!tpu.dma_semaphore, #tpu.memory_space<semaphore_mem>>)
      %dma_wait3A = arith.constant 0 : i32
      %dma_wait3A_40 = tpu.memref_slice %arg7[%add3A_18, %dma_wait3A] : memref<10240x128xf32, #tpu.memory_space<vmem_shared>> -> memref<128x128xf32, #tpu.memory_space<vmem_shared>>
      %dma_wait3A_41 = arith.constant 0 : i32
      %dma_wait3A_42 = tpu.memref_slice %arg7[%add3A_18, %dma_wait3A_41] : memref<10240x128xf32, #tpu.memory_space<vmem_shared>> -> memref<128x128xf32, #tpu.memory_space<vmem_shared>>
      tpu.wait_dma2 semaphore(%run_scoped3A : memref<!tpu.dma_semaphore, #tpu.memory_space<semaphore_mem>>) src(%arg6 : memref<128x128xf32, #tpu.memory_space<vmem>>) dst(%dma_wait3A_42 : memref<128x128xf32, #tpu.memory_space<vmem_shared>>)
      tpu.yield
    }) : () -> ()
    %mul3A_19 = arith.constant 640 : i32
    %mul3A_20 = arith.muli %arg1, %mul3A_19 : i32
    %add3A_21 = arith.constant 384 : i32
    %add3A_22 = arith.addi %mul3A_20, %add3A_21 : i32
    "tpu.region"() ({
      %run_scoped3A = tpu.sem_alloc : memref<!tpu.dma_semaphore, #tpu.memory_space<semaphore_mem>>
      %dma_start3A = arith.constant 0 : i32
      %dma_start3A_37 = tpu.memref_slice %arg7[%add3A_22, %dma_start3A] : memref<10240x128xf32, #tpu.memory_space<vmem_shared>> -> memref<128x128xf32, #tpu.memory_space<vmem_shared>>
      %dma_start3A_38 = arith.constant 0 : i32
      %dma_start3A_39 = tpu.memref_slice %arg7[%add3A_22, %dma_start3A_38] : memref<10240x128xf32, #tpu.memory_space<vmem_shared>> -> memref<128x128xf32, #tpu.memory_space<vmem_shared>>
      tpu.enqueue_dma source(%arg6 : memref<128x128xf32, #tpu.memory_space<vmem>>) target(%dma_start3A_39 : memref<128x128xf32, #tpu.memory_space<vmem_shared>>) target_semaphore(%run_scoped3A : memref<!tpu.dma_semaphore, #tpu.memory_space<semaphore_mem>>)
      %dma_wait3A = arith.constant 0 : i32
      %dma_wait3A_40 = tpu.memref_slice %arg7[%add3A_22, %dma_wait3A] : memref<10240x128xf32, #tpu.memory_space<vmem_shared>> -> memref<128x128xf32, #tpu.memory_space<vmem_shared>>
      %dma_wait3A_41 = arith.constant 0 : i32
      %dma_wait3A_42 = tpu.memref_slice %arg7[%add3A_22, %dma_wait3A_41] : memref<10240x128xf32, #tpu.memory_space<vmem_shared>> -> memref<128x128xf32, #tpu.memory_space<vmem_shared>>
      tpu.wait_dma2 semaphore(%run_scoped3A : memref<!tpu.dma_semaphore, #tpu.memory_space<semaphore_mem>>) src(%arg6 : memref<128x128xf32, #tpu.memory_space<vmem>>) dst(%dma_wait3A_42 : memref<128x128xf32, #tpu.memory_space<vmem_shared>>)
      tpu.yield
    }) : () -> ()
    %mul3A_23 = arith.constant 640 : i32
    %mul3A_24 = arith.muli %arg1, %mul3A_23 : i32
    %add3A_25 = arith.constant 512 : i32
    %add3A_26 = arith.addi %mul3A_24, %add3A_25 : i32
    "tpu.region"() ({
      %run_scoped3A = tpu.sem_alloc : memref<!tpu.dma_semaphore, #tpu.memory_space<semaphore_mem>>
      %dma_start3A = arith.constant 0 : i32
      %dma_start3A_37 = tpu.memref_slice %arg7[%add3A_26, %dma_start3A] : memref<10240x128xf32, #tpu.memory_space<vmem_shared>> -> memref<128x128xf32, #tpu.memory_space<vmem_shared>>
      %dma_start3A_38 = arith.constant 0 : i32
      %dma_start3A_39 = tpu.memref_slice %arg7[%add3A_26, %dma_start3A_38] : memref<10240x128xf32, #tpu.memory_space<vmem_shared>> -> memref<128x128xf32, #tpu.memory_space<vmem_shared>>
      tpu.enqueue_dma source(%arg6 : memref<128x128xf32, #tpu.memory_space<vmem>>) target(%dma_start3A_39 : memref<128x128xf32, #tpu.memory_space<vmem_shared>>) target_semaphore(%run_scoped3A : memref<!tpu.dma_semaphore, #tpu.memory_space<semaphore_mem>>)
      %dma_wait3A = arith.constant 0 : i32
      %dma_wait3A_40 = tpu.memref_slice %arg7[%add3A_26, %dma_wait3A] : memref<10240x128xf32, #tpu.memory_space<vmem_shared>> -> memref<128x128xf32, #tpu.memory_space<vmem_shared>>
      %dma_wait3A_41 = arith.constant 0 : i32
      %dma_wait3A_42 = tpu.memref_slice %arg7[%add3A_26, %dma_wait3A_41] : memref<10240x128xf32, #tpu.memory_space<vmem_shared>> -> memref<128x128xf32, #tpu.memory_space<vmem_shared>>
      tpu.wait_dma2 semaphore(%run_scoped3A : memref<!tpu.dma_semaphore, #tpu.memory_space<semaphore_mem>>) src(%arg6 : memref<128x128xf32, #tpu.memory_space<vmem>>) dst(%dma_wait3A_42 : memref<128x128xf32, #tpu.memory_space<vmem_shared>>)
      tpu.yield
    }) : () -> ()
    %barrier3A = arith.constant 0 : index
    tpu.barrier barrier_id(%barrier3A)
    %scan3A_27 = arith.constant 0 : i32
    %scan3A_28 = arith.constant 80 : i32
    %scan3A_29 = arith.addi %scan3A_27, %scan3A_28 : i32
    %scan3A_30 = arith.constant 1 : i32
    scf.for %scan3A_37 = %scan3A_27 to %scan3A_29 step %scan3A_30  : i32 {
      %add3A_38 = arith.addi %mul3A_2, %scan3A_37 : i32
      "tpu.region"() ({
        %run_scoped3A_51 = tpu.sem_alloc : memref<!tpu.dma_semaphore, #tpu.memory_space<semaphore_mem>>
        %dma_start3A_52 = arith.constant 0 : i32
        %dma_start3A_53 = arith.constant 0 : i32
        %dma_start3A_54 = tpu.memref_slice %arg3[%add3A_38, %dma_start3A_52, %dma_start3A_53] : memref<2560x2x128xi32, #tpu.memory_space<hbm>> -> memref<1x2x128xi32, #tpu.memory_space<hbm>>
        %dma_start3A_55 = tpu.memref_squeeze %dma_start3A_54 : memref<1x2x128xi32, #tpu.memory_space<hbm>> -> memref<2x128xi32, #tpu.memory_space<hbm>>
        %dma_start3A_56 = arith.constant 0 : i32
        %dma_start3A_57 = arith.constant 0 : i32
        %dma_start3A_58 = tpu.memref_slice %arg3[%add3A_38, %dma_start3A_56, %dma_start3A_57] : memref<2560x2x128xi32, #tpu.memory_space<hbm>> -> memref<1x2x128xi32, #tpu.memory_space<hbm>>
        %dma_start3A_59 = tpu.memref_squeeze %dma_start3A_58 : memref<1x2x128xi32, #tpu.memory_space<hbm>> -> memref<2x128xi32, #tpu.memory_space<hbm>>
        tpu.enqueue_dma source(%dma_start3A_59 : memref<2x128xi32, #tpu.memory_space<hbm>>) target(%arg5 : memref<2x128xi32, #tpu.memory_space<vmem>>) target_semaphore(%run_scoped3A_51 : memref<!tpu.dma_semaphore, #tpu.memory_space<semaphore_mem>>)
        %dma_wait3A_60 = arith.constant 0 : i32
        %dma_wait3A_61 = arith.constant 0 : i32
        %dma_wait3A_62 = tpu.memref_slice %arg3[%add3A_38, %dma_wait3A_60, %dma_wait3A_61] : memref<2560x2x128xi32, #tpu.memory_space<hbm>> -> memref<1x2x128xi32, #tpu.memory_space<hbm>>
        %dma_wait3A_63 = tpu.memref_squeeze %dma_wait3A_62 : memref<1x2x128xi32, #tpu.memory_space<hbm>> -> memref<2x128xi32, #tpu.memory_space<hbm>>
        %dma_wait3A_64 = arith.constant 0 : i32
        %dma_wait3A_65 = arith.constant 0 : i32
        %dma_wait3A_66 = tpu.memref_slice %arg3[%add3A_38, %dma_wait3A_64, %dma_wait3A_65] : memref<2560x2x128xi32, #tpu.memory_space<hbm>> -> memref<1x2x128xi32, #tpu.memory_space<hbm>>
        %dma_wait3A_67 = tpu.memref_squeeze %dma_wait3A_66 : memref<1x2x128xi32, #tpu.memory_space<hbm>> -> memref<2x128xi32, #tpu.memory_space<hbm>>
        tpu.wait_dma2 semaphore(%run_scoped3A_51 : memref<!tpu.dma_semaphore, #tpu.memory_space<semaphore_mem>>) src(%dma_wait3A_67 : memref<2x128xi32, #tpu.memory_space<hbm>>) dst(%arg5 : memref<2x128xi32, #tpu.memory_space<vmem>>)
        tpu.yield
      }) : () -> ()
      %dma_start3A = arith.constant 0 : i32
      %dma_start3A_39 = arith.constant 0 : i32
      %dma_start3A_40 = tpu.memref_slice %arg5[%dma_start3A, %dma_start3A_39] : memref<2x128xi32, #tpu.memory_space<vmem>> -> memref<1x128xi32, #tpu.memory_space<vmem>>
      %dma_start3A_41 = tpu.memref_squeeze %dma_start3A_40 : memref<1x128xi32, #tpu.memory_space<vmem>> -> memref<128xi32, #tpu.memory_space<vmem>>
      %dma_start3A_42 = arith.constant 0 : i32
      %dma_start3A_43 = arith.constant 0 : i32
      %dma_start3A_44 = tpu.memref_slice %arg2[%dma_start3A_42, %dma_start3A_43] : memref<10240x128xf32, #tpu.memory_space<hbm>> -> memref<10240x128xf32, #tpu.memory_space<hbm>>
      tpu.enqueue_indirect_dma source(%dma_start3A_44 : memref<10240x128xf32, #tpu.memory_space<hbm>>) target(%arg6 : memref<128x128xf32, #tpu.memory_space<vmem>>) offsets(%dma_start3A_41 : memref<128xi32, #tpu.memory_space<vmem>>) semaphore(%arg8 : memref<!tpu.dma_semaphore, #tpu.memory_space<semaphore_mem>>)
      %dma_wait3A = arith.constant 0 : i32
      %dma_wait3A_45 = arith.constant 0 : i32
      %dma_wait3A_46 = tpu.memref_slice %arg5[%dma_wait3A, %dma_wait3A_45] : memref<2x128xi32, #tpu.memory_space<vmem>> -> memref<1x128xi32, #tpu.memory_space<vmem>>
      %dma_wait3A_47 = tpu.memref_squeeze %dma_wait3A_46 : memref<1x128xi32, #tpu.memory_space<vmem>> -> memref<128xi32, #tpu.memory_space<vmem>>
      %dma_wait3A_48 = arith.constant 0 : i32
      %dma_wait3A_49 = arith.constant 0 : i32
      %dma_wait3A_50 = tpu.memref_slice %arg2[%dma_wait3A_48, %dma_wait3A_49] : memref<10240x128xf32, #tpu.memory_space<hbm>> -> memref<10240x128xf32, #tpu.memory_space<hbm>>
      tpu.wait_indirect_dma semaphore(%arg8 : memref<!tpu.dma_semaphore, #tpu.memory_space<semaphore_mem>>) src(%dma_wait3A_50 : memref<10240x128xf32, #tpu.memory_space<hbm>>) dst(%arg6 : memref<128x128xf32, #tpu.memory_space<vmem>>)
      %run_scoped3A = arith.constant 1 : i32
      "tpu.region"() ({
        %run_scoped3A_51 = tpu.sem_alloc : memref<!tpu.dma_semaphore, #tpu.memory_space<semaphore_mem>>
        %dma_start3A_52 = arith.constant 0 : i32
        %dma_start3A_53 = tpu.memref_slice %arg5[%run_scoped3A, %dma_start3A_52] : memref<2x128xi32, #tpu.memory_space<vmem>> -> memref<1x128xi32, #tpu.memory_space<vmem>>
        %dma_start3A_54 = tpu.memref_squeeze %dma_start3A_53 : memref<1x128xi32, #tpu.memory_space<vmem>> -> memref<128xi32, #tpu.memory_space<vmem>>
        %dma_start3A_55 = arith.constant 0 : i32
        %dma_start3A_56 = arith.constant 0 : i32
        %dma_start3A_57 = tpu.memref_slice %arg7[%dma_start3A_55, %dma_start3A_56] : memref<10240x128xf32, #tpu.memory_space<vmem_shared>> -> memref<10240x128xf32, #tpu.memory_space<vmem_shared>>
        tpu.enqueue_indirect_dma source(%arg6 : memref<128x128xf32, #tpu.memory_space<vmem>>) target(%dma_start3A_57 : memref<10240x128xf32, #tpu.memory_space<vmem_shared>>) offsets(%dma_start3A_54 : memref<128xi32, #tpu.memory_space<vmem>>) semaphore(%run_scoped3A_51 : memref<!tpu.dma_semaphore, #tpu.memory_space<semaphore_mem>>) {add = true}
        %dma_wait3A_58 = arith.constant 0 : i32
        %dma_wait3A_59 = tpu.memref_slice %arg5[%run_scoped3A, %dma_wait3A_58] : memref<2x128xi32, #tpu.memory_space<vmem>> -> memref<1x128xi32, #tpu.memory_space<vmem>>
        %dma_wait3A_60 = tpu.memref_squeeze %dma_wait3A_59 : memref<1x128xi32, #tpu.memory_space<vmem>> -> memref<128xi32, #tpu.memory_space<vmem>>
        %dma_wait3A_61 = arith.constant 0 : i32
        %dma_wait3A_62 = arith.constant 0 : i32
        %dma_wait3A_63 = tpu.memref_slice %arg7[%dma_wait3A_61, %dma_wait3A_62] : memref<10240x128xf32, #tpu.memory_space<vmem_shared>> -> memref<10240x128xf32, #tpu.memory_space<vmem_shared>>
        tpu.wait_indirect_dma semaphore(%run_scoped3A_51 : memref<!tpu.dma_semaphore, #tpu.memory_space<semaphore_mem>>) src(%arg6 : memref<128x128xf32, #tpu.memory_space<vmem>>) dst(%dma_wait3A_63 : memref<10240x128xf32, #tpu.memory_space<vmem_shared>>)
        tpu.yield
      }) : () -> ()
    }
    %scan3A_31 = arith.constant 80 : i32
    %barrier3A_32 = arith.constant 0 : index
    tpu.barrier barrier_id(%barrier3A_32)
    %mul3A_33 = arith.constant 640 : i32
    %mul3A_34 = arith.muli %arg1, %mul3A_33 : i32
    %mul3A_35 = arith.constant 640 : i32
    %mul3A_36 = arith.muli %arg1, %mul3A_35 : i32
    "tpu.region"() ({
      %run_scoped3A = tpu.sem_alloc : memref<!tpu.dma_semaphore, #tpu.memory_space<semaphore_mem>>
      %dma_start3A = arith.constant 0 : i32
      %dma_start3A_37 = tpu.memref_slice %arg4[%arg0, %mul3A_36, %dma_start3A] : memref<2x10240x128xf32, #tpu.memory_space<hbm>> -> memref<1x640x128xf32, #tpu.memory_space<hbm>>
      %dma_start3A_38 = tpu.memref_squeeze %dma_start3A_37 : memref<1x640x128xf32, #tpu.memory_space<hbm>> -> memref<640x128xf32, #tpu.memory_space<hbm>>
      %dma_start3A_39 = arith.constant 0 : i32
      %dma_start3A_40 = tpu.memref_slice %arg7[%mul3A_34, %dma_start3A_39] : memref<10240x128xf32, #tpu.memory_space<vmem_shared>> -> memref<640x128xf32, #tpu.memory_space<vmem_shared>>
      tpu.enqueue_dma source(%dma_start3A_40 : memref<640x128xf32, #tpu.memory_space<vmem_shared>>) target(%dma_start3A_38 : memref<640x128xf32, #tpu.memory_space<hbm>>) target_semaphore(%run_scoped3A : memref<!tpu.dma_semaphore, #tpu.memory_space<semaphore_mem>>)
      %dma_wait3A = arith.constant 0 : i32
      %dma_wait3A_41 = tpu.memref_slice %arg4[%arg0, %mul3A_36, %dma_wait3A] : memref<2x10240x128xf32, #tpu.memory_space<hbm>> -> memref<1x640x128xf32, #tpu.memory_space<hbm>>
      %dma_wait3A_42 = tpu.memref_squeeze %dma_wait3A_41 : memref<1x640x128xf32, #tpu.memory_space<hbm>> -> memref<640x128xf32, #tpu.memory_space<hbm>>
      %dma_wait3A_43 = arith.constant 0 : i32
      %dma_wait3A_44 = tpu.memref_slice %arg7[%mul3A_34, %dma_wait3A_43] : memref<10240x128xf32, #tpu.memory_space<vmem_shared>> -> memref<640x128xf32, #tpu.memory_space<vmem_shared>>
      tpu.wait_dma2 semaphore(%run_scoped3A : memref<!tpu.dma_semaphore, #tpu.memory_space<semaphore_mem>>) src(%dma_wait3A_44 : memref<640x128xf32, #tpu.memory_space<vmem_shared>>) dst(%dma_wait3A_42 : memref<640x128xf32, #tpu.memory_space<hbm>>)
      tpu.yield
    }) : () -> ()
    return
  }
}

module attributes {stable_mosaic.version = 14 : i64} {
  func.func @_tc_layer_body(%arg0: i32, %arg1: memref<32x1024xf32, #tpu.memory_space<vmem>>, %arg2: memref<2x1024x128xf32, #tpu.memory_space<vmem>>, %arg3: memref<128x128xf32, #tpu.memory_space<vmem>>, %arg4: memref<128xf32, #tpu.memory_space<vmem>>, %arg5: memref<1024x128xf32, #tpu.memory_space<vmem>>) attributes {dimension_semantics = [#tpu.dimension_semantics<arbitrary>], iteration_bounds = array<i64: 10>, scalar_prefetch = 0 : i64, scratch_operands = 0 : i64, tpu.core_type = #tpu.core_type<tc>, window_params = [{transform_indices = @transform_0, window_bounds = array<i64: 32, 1024>}, {transform_indices = @transform_1, window_bounds = array<i64: 2, 1024, 128>}, {pipeline_mode = #tpu.pipeline_mode<synchronous>, transform_indices = @transform_2, window_bounds = array<i64: 128, 128>}, {pipeline_mode = #tpu.pipeline_mode<synchronous>, transform_indices = @transform_3, window_bounds = array<i64: 128>}, {transform_indices = @transform_4, window_bounds = array<i64: 1024, 128>}]} {
    %get3A = arith.constant 0 : index
    %get3A_0 = arith.constant 0 : index
    %get3A_1 = vector.load %arg1[%get3A, %get3A_0] : memref<32x1024xf32, #tpu.memory_space<vmem>>, vector<32x1024xf32>
    %reduce_sum3A = arith.constant dense<0.000000e+00> : vector<1024xf32>
    %reduce_sum3A_2 = vector.multi_reduction <add>, %get3A_1, %reduce_sum3A [0] : vector<32x1024xf32> to vector<1024xf32>
    %broadcast_in_dim3A = vector.shape_cast %reduce_sum3A_2 : vector<1024xf32> to vector<1024x1xf32>
    %max3A = arith.constant 1.000000e+00 : f32
    %max3A_3 = vector.broadcast %max3A : f32 to vector<1024x1xf32>
    %max3A_4 = arith.maximumf %broadcast_in_dim3A, %max3A_3 : vector<1024x1xf32>
    %rsqrt3A = math.rsqrt %max3A_4 : vector<1024x1xf32>
    %get3A_5 = arith.constant 0 : index
    %get3A_6 = arith.constant 0 : index
    %get3A_7 = arith.constant 0 : index
    %get3A_8 = vector.load %arg2[%get3A_5, %get3A_6, %get3A_7] : memref<2x1024x128xf32, #tpu.memory_space<vmem>>, vector<1x1024x128xf32>
    %get3A_9 = vector.shape_cast %get3A_8 : vector<1x1024x128xf32> to vector<1024x128xf32>
    %get3A_10 = arith.constant 1 : index
    %get3A_11 = arith.constant 0 : index
    %get3A_12 = arith.constant 0 : index
    %get3A_13 = vector.load %arg2[%get3A_10, %get3A_11, %get3A_12] : memref<2x1024x128xf32, #tpu.memory_space<vmem>>, vector<1x1024x128xf32>
    %get3A_14 = vector.shape_cast %get3A_13 : vector<1x1024x128xf32> to vector<1024x128xf32>
    %add3A = arith.addf %get3A_9, %get3A_14 : vector<1024x128xf32>
    %mul3A = vector.broadcast %rsqrt3A : vector<1024x1xf32> to vector<1024x128xf32>
    %mul3A_15 = arith.mulf %add3A, %mul3A : vector<1024x128xf32>
    %get3A_16 = arith.constant 0 : index
    %get3A_17 = arith.constant 0 : index
    %get3A_18 = vector.load %arg3[%get3A_16, %get3A_17] : memref<128x128xf32, #tpu.memory_space<vmem>>, vector<128x128xf32>
    %dot_general3A = arith.constant dense<0.000000e+00> : vector<1024x128xf32>
    %dot_general3A_19 = tpu.matmul %mul3A_15, %get3A_18, %dot_general3A {dimension_numbers = #tpu.dot_dimension_numbers<[1], [0], [0], [1], [0, 0, 1, 1], [], []>, transpose_lhs_hint = false} : vector<1024x128xf32>, vector<128x128xf32>, vector<1024x128xf32> -> vector<1024x128xf32>
    %get3A_20 = arith.constant 0 : index
    %get3A_21 = vector.load %arg4[%get3A_20] : memref<128xf32, #tpu.memory_space<vmem>>, vector<128xf32>
    %broadcast_in_dim3A_22 = vector.shape_cast %get3A_21 : vector<128xf32> to vector<1x128xf32>
    %add3A_23 = vector.broadcast %broadcast_in_dim3A_22 : vector<1x128xf32> to vector<1024x128xf32>
    %add3A_24 = arith.addf %dot_general3A_19, %add3A_23 : vector<1024x128xf32>
    %max3A_25 = arith.constant 0.000000e+00 : f32
    %max3A_26 = vector.broadcast %max3A_25 : f32 to vector<1024x128xf32>
    %max3A_27 = arith.maximumf %add3A_24, %max3A_26 : vector<1024x128xf32>
    %mul3A_28 = vector.broadcast %rsqrt3A : vector<1024x1xf32> to vector<1024x128xf32>
    %mul3A_29 = arith.mulf %max3A_27, %mul3A_28 : vector<1024x128xf32>
    %swap3A = arith.constant 0 : index
    %swap3A_30 = arith.constant 0 : index
    %swap3A_31 = vector.load %arg5[%swap3A, %swap3A_30] : memref<1024x128xf32, #tpu.memory_space<vmem>>, vector<1024x128xf32>
    tpu.vector_store %arg5[%swap3A, %swap3A_30], %mul3A_29 {strides = array<i32>} : memref<1024x128xf32, #tpu.memory_space<vmem>>, vector<1024x128xf32>,
    return
  }
  func.func @transform_0(%arg0: i32) -> (i32, i32) {
    %c0_i32 = arith.constant 0 : i32
    %c0_i32_0 = arith.constant 0 : i32
    return %c0_i32, %arg0 : i32, i32
  }
  func.func @transform_1(%arg0: i32) -> (i32, i32, i32) {
    %c0_i32 = arith.constant 0 : i32
    %c0_i32_0 = arith.constant 0 : i32
    %c0_i32_1 = arith.constant 0 : i32
    return %c0_i32, %arg0, %c0_i32_0 : i32, i32, i32
  }
  func.func @transform_2(%arg0: i32) -> (i32, i32) {
    %c0_i32 = arith.constant 0 : i32
    %c0_i32_0 = arith.constant 0 : i32
    %c0_i32_1 = arith.constant 0 : i32
    return %c0_i32, %c0_i32_0 : i32, i32
  }
  func.func @transform_3(%arg0: i32) -> i32 {
    %c0_i32 = arith.constant 0 : i32
    %c0_i32_0 = arith.constant 0 : i32
    return %c0_i32 : i32
  }
  func.func @transform_4(%arg0: i32) -> (i32, i32) {
    %c0_i32 = arith.constant 0 : i32
    %c0_i32_0 = arith.constant 0 : i32
    return %arg0, %c0_i32 : i32, i32
  }
}

module attributes {stable_mosaic.version = 14 : i64} {
  func.func @_tc_scale_body(%arg0: i32, %arg1: memref<32x1024xf32, #tpu.memory_space<vmem>>, %arg2: memref<1024x128xf32, #tpu.memory_space<vmem>>, %arg3: memref<1024x128xf32, #tpu.memory_space<vmem>>) attributes {dimension_semantics = [#tpu.dimension_semantics<arbitrary>], iteration_bounds = array<i64: 10>, scalar_prefetch = 0 : i64, scratch_operands = 0 : i64, tpu.core_type = #tpu.core_type<tc>, window_params = [{transform_indices = @transform_0, window_bounds = array<i64: 32, 1024>}, {transform_indices = @transform_1, window_bounds = array<i64: 1024, 128>}, {transform_indices = @transform_2, window_bounds = array<i64: 1024, 128>}]} {
    %get3A = arith.constant 0 : index
    %get3A_0 = arith.constant 0 : index
    %get3A_1 = vector.load %arg2[%get3A, %get3A_0] : memref<1024x128xf32, #tpu.memory_space<vmem>>, vector<1024x128xf32>
    %get3A_2 = arith.constant 0 : index
    %get3A_3 = arith.constant 0 : index
    %get3A_4 = vector.load %arg1[%get3A_2, %get3A_3] : memref<32x1024xf32, #tpu.memory_space<vmem>>, vector<32x1024xf32>
    %reduce_sum3A = arith.constant dense<0.000000e+00> : vector<1024xf32>
    %reduce_sum3A_5 = vector.multi_reduction <add>, %get3A_4, %reduce_sum3A [0] : vector<32x1024xf32> to vector<1024xf32>
    %broadcast_in_dim3A = vector.shape_cast %reduce_sum3A_5 : vector<1024xf32> to vector<1024x1xf32>
    %max3A = arith.constant 1.000000e+00 : f32
    %max3A_6 = vector.broadcast %max3A : f32 to vector<1024x1xf32>
    %max3A_7 = arith.maximumf %broadcast_in_dim3A, %max3A_6 : vector<1024x1xf32>
    %rsqrt3A = math.rsqrt %max3A_7 : vector<1024x1xf32>
    %mul3A = vector.broadcast %rsqrt3A : vector<1024x1xf32> to vector<1024x128xf32>
    %mul3A_8 = arith.mulf %get3A_1, %mul3A : vector<1024x128xf32>
    %swap3A = arith.constant 0 : index
    %swap3A_9 = arith.constant 0 : index
    %swap3A_10 = vector.load %arg3[%swap3A, %swap3A_9] : memref<1024x128xf32, #tpu.memory_space<vmem>>, vector<1024x128xf32>
    tpu.vector_store %arg3[%swap3A, %swap3A_9], %mul3A_8 {strides = array<i32>} : memref<1024x128xf32, #tpu.memory_space<vmem>>, vector<1024x128xf32>,
    return
  }
  func.func @transform_0(%arg0: i32) -> (i32, i32) {
    %c0_i32 = arith.constant 0 : i32
    %c0_i32_0 = arith.constant 0 : i32
    return %c0_i32, %arg0 : i32, i32
  }
  func.func @transform_1(%arg0: i32) -> (i32, i32) {
    %c0_i32 = arith.constant 0 : i32
    %c0_i32_0 = arith.constant 0 : i32
    return %arg0, %c0_i32 : i32, i32
  }
  func.func @transform_2(%arg0: i32) -> (i32, i32) {
    %c0_i32 = arith.constant 0 : i32
    %c0_i32_0 = arith.constant 0 : i32
    return %arg0, %c0_i32 : i32, i32
  }
}

module attributes {stable_mosaic.version = 14 : i64} {
  func.func @_tc_head_body(%arg0: i32, %arg1: memref<32x1024xf32, #tpu.memory_space<vmem>>, %arg2: memref<2x1024x128xf32, #tpu.memory_space<vmem>>, %arg3: memref<128x128xf32, #tpu.memory_space<vmem>>, %arg4: memref<128xf32, #tpu.memory_space<vmem>>, %arg5: memref<128x16xf32, #tpu.memory_space<vmem>>, %arg6: memref<16xf32, #tpu.memory_space<vmem>>, %arg7: memref<1024x16xf32, #tpu.memory_space<vmem>>) attributes {dimension_semantics = [#tpu.dimension_semantics<arbitrary>], iteration_bounds = array<i64: 10>, scalar_prefetch = 0 : i64, scratch_operands = 0 : i64, tpu.core_type = #tpu.core_type<tc>, window_params = [{transform_indices = @transform_0, window_bounds = array<i64: 32, 1024>}, {transform_indices = @transform_1, window_bounds = array<i64: 2, 1024, 128>}, {pipeline_mode = #tpu.pipeline_mode<synchronous>, transform_indices = @transform_2, window_bounds = array<i64: 128, 128>}, {pipeline_mode = #tpu.pipeline_mode<synchronous>, transform_indices = @transform_3, window_bounds = array<i64: 128>}, {pipeline_mode = #tpu.pipeline_mode<synchronous>, transform_indices = @transform_4, window_bounds = array<i64: 128, 16>}, {pipeline_mode = #tpu.pipeline_mode<synchronous>, transform_indices = @transform_5, window_bounds = array<i64: 16>}, {transform_indices = @transform_6, window_bounds = array<i64: 1024, 16>}]} {
    %get3A = arith.constant 0 : index
    %get3A_0 = arith.constant 0 : index
    %get3A_1 = vector.load %arg1[%get3A, %get3A_0] : memref<32x1024xf32, #tpu.memory_space<vmem>>, vector<32x1024xf32>
    %reduce_sum3A = arith.constant dense<0.000000e+00> : vector<1024xf32>
    %reduce_sum3A_2 = vector.multi_reduction <add>, %get3A_1, %reduce_sum3A [0] : vector<32x1024xf32> to vector<1024xf32>
    %broadcast_in_dim3A = vector.shape_cast %reduce_sum3A_2 : vector<1024xf32> to vector<1024x1xf32>
    %max3A = arith.constant 1.000000e+00 : f32
    %max3A_3 = vector.broadcast %max3A : f32 to vector<1024x1xf32>
    %max3A_4 = arith.maximumf %broadcast_in_dim3A, %max3A_3 : vector<1024x1xf32>
    %rsqrt3A = math.rsqrt %max3A_4 : vector<1024x1xf32>
    %get3A_5 = arith.constant 0 : index
    %get3A_6 = arith.constant 0 : index
    %get3A_7 = arith.constant 0 : index
    %get3A_8 = vector.load %arg2[%get3A_5, %get3A_6, %get3A_7] : memref<2x1024x128xf32, #tpu.memory_space<vmem>>, vector<1x1024x128xf32>
    %get3A_9 = vector.shape_cast %get3A_8 : vector<1x1024x128xf32> to vector<1024x128xf32>
    %get3A_10 = arith.constant 1 : index
    %get3A_11 = arith.constant 0 : index
    %get3A_12 = arith.constant 0 : index
    %get3A_13 = vector.load %arg2[%get3A_10, %get3A_11, %get3A_12] : memref<2x1024x128xf32, #tpu.memory_space<vmem>>, vector<1x1024x128xf32>
    %get3A_14 = vector.shape_cast %get3A_13 : vector<1x1024x128xf32> to vector<1024x128xf32>
    %add3A = arith.addf %get3A_9, %get3A_14 : vector<1024x128xf32>
    %mul3A = vector.broadcast %rsqrt3A : vector<1024x1xf32> to vector<1024x128xf32>
    %mul3A_15 = arith.mulf %add3A, %mul3A : vector<1024x128xf32>
    %get3A_16 = arith.constant 0 : index
    %get3A_17 = arith.constant 0 : index
    %get3A_18 = vector.load %arg3[%get3A_16, %get3A_17] : memref<128x128xf32, #tpu.memory_space<vmem>>, vector<128x128xf32>
    %dot_general3A = arith.constant dense<0.000000e+00> : vector<1024x128xf32>
    %dot_general3A_19 = tpu.matmul %mul3A_15, %get3A_18, %dot_general3A {dimension_numbers = #tpu.dot_dimension_numbers<[1], [0], [0], [1], [0, 0, 1, 1], [], []>, transpose_lhs_hint = false} : vector<1024x128xf32>, vector<128x128xf32>, vector<1024x128xf32> -> vector<1024x128xf32>
    %get3A_20 = arith.constant 0 : index
    %get3A_21 = vector.load %arg4[%get3A_20] : memref<128xf32, #tpu.memory_space<vmem>>, vector<128xf32>
    %broadcast_in_dim3A_22 = vector.shape_cast %get3A_21 : vector<128xf32> to vector<1x128xf32>
    %add3A_23 = vector.broadcast %broadcast_in_dim3A_22 : vector<1x128xf32> to vector<1024x128xf32>
    %add3A_24 = arith.addf %dot_general3A_19, %add3A_23 : vector<1024x128xf32>
    %max3A_25 = arith.constant 0.000000e+00 : f32
    %max3A_26 = vector.broadcast %max3A_25 : f32 to vector<1024x128xf32>
    %max3A_27 = arith.maximumf %add3A_24, %max3A_26 : vector<1024x128xf32>
    %get3A_28 = arith.constant 0 : index
    %get3A_29 = arith.constant 0 : index
    %get3A_30 = vector.load %arg5[%get3A_28, %get3A_29] : memref<128x16xf32, #tpu.memory_space<vmem>>, vector<128x16xf32>
    %dot_general3A_31 = arith.constant dense<0.000000e+00> : vector<1024x16xf32>
    %dot_general3A_32 = tpu.matmul %max3A_27, %get3A_30, %dot_general3A_31 {dimension_numbers = #tpu.dot_dimension_numbers<[1], [0], [0], [1], [0, 0, 1, 1], [], []>, transpose_lhs_hint = false} : vector<1024x128xf32>, vector<128x16xf32>, vector<1024x16xf32> -> vector<1024x16xf32>
    %get3A_33 = arith.constant 0 : index
    %get3A_34 = vector.load %arg6[%get3A_33] : memref<16xf32, #tpu.memory_space<vmem>>, vector<16xf32>
    %broadcast_in_dim3A_35 = vector.shape_cast %get3A_34 : vector<16xf32> to vector<1x16xf32>
    %add3A_36 = vector.broadcast %broadcast_in_dim3A_35 : vector<1x16xf32> to vector<1024x16xf32>
    %add3A_37 = arith.addf %dot_general3A_32, %add3A_36 : vector<1024x16xf32>
    %reduce_max3A = arith.constant dense<0xFF800000> : vector<1024xf32>
    %reduce_max3A_38 = vector.multi_reduction <maximumf>, %add3A_37, %reduce_max3A [1] : vector<1024x16xf32> to vector<1024xf32>
    %broadcast_in_dim3A_39 = vector.shape_cast %reduce_max3A_38 : vector<1024xf32> to vector<1024x1xf32>
    %sub3A = vector.broadcast %broadcast_in_dim3A_39 : vector<1024x1xf32> to vector<1024x16xf32>
    %sub3A_40 = arith.subf %add3A_37, %sub3A : vector<1024x16xf32>
    %exp3A = math.exp %sub3A_40 : vector<1024x16xf32>
    %reduce_sum3A_41 = arith.constant dense<0.000000e+00> : vector<1024xf32>
    %reduce_sum3A_42 = vector.multi_reduction <add>, %exp3A, %reduce_sum3A_41 [1] : vector<1024x16xf32> to vector<1024xf32>
    %broadcast_in_dim3A_43 = vector.shape_cast %reduce_sum3A_42 : vector<1024xf32> to vector<1024x1xf32>
    %div3A = vector.broadcast %broadcast_in_dim3A_43 : vector<1024x1xf32> to vector<1024x16xf32>
    %div3A_44 = arith.divf %exp3A, %div3A : vector<1024x16xf32>
    %swap3A = arith.constant 0 : index
    %swap3A_45 = arith.constant 0 : index
    %swap3A_46 = vector.load %arg7[%swap3A, %swap3A_45] : memref<1024x16xf32, #tpu.memory_space<vmem>>, vector<1024x16xf32>
    tpu.vector_store %arg7[%swap3A, %swap3A_45], %div3A_44 {strides = array<i32>} : memref<1024x16xf32, #tpu.memory_space<vmem>>, vector<1024x16xf32>,
    return
  }
  func.func @transform_0(%arg0: i32) -> (i32, i32) {
    %c0_i32 = arith.constant 0 : i32
    %c0_i32_0 = arith.constant 0 : i32
    return %c0_i32, %arg0 : i32, i32
  }
  func.func @transform_1(%arg0: i32) -> (i32, i32, i32) {
    %c0_i32 = arith.constant 0 : i32
    %c0_i32_0 = arith.constant 0 : i32
    %c0_i32_1 = arith.constant 0 : i32
    return %c0_i32, %arg0, %c0_i32_0 : i32, i32, i32
  }
  func.func @transform_2(%arg0: i32) -> (i32, i32) {
    %c0_i32 = arith.constant 0 : i32
    %c0_i32_0 = arith.constant 0 : i32
    %c0_i32_1 = arith.constant 0 : i32
    return %c0_i32, %c0_i32_0 : i32, i32
  }
  func.func @transform_3(%arg0: i32) -> i32 {
    %c0_i32 = arith.constant 0 : i32
    %c0_i32_0 = arith.constant 0 : i32
    return %c0_i32 : i32
  }
  func.func @transform_4(%arg0: i32) -> (i32, i32) {
    %c0_i32 = arith.constant 0 : i32
    %c0_i32_0 = arith.constant 0 : i32
    %c0_i32_1 = arith.constant 0 : i32
    return %c0_i32, %c0_i32_0 : i32, i32
  }
  func.func @transform_5(%arg0: i32) -> i32 {
    %c0_i32 = arith.constant 0 : i32
    %c0_i32_0 = arith.constant 0 : i32
    return %c0_i32 : i32
  }
  func.func @transform_6(%arg0: i32) -> (i32, i32) {
    %c0_i32 = arith.constant 0 : i32
    %c0_i32_0 = arith.constant 0 : i32
    return %arg0, %c0_i32 : i32, i32
  }
}

</mosaic_0001>

<sc_bundles>
// kernel: kernel.11.cloned.1.call-start
scs
__scs_entry_jumppad:
0x0: {  	(pc) =	sbr.rel $0x88, $3  }
0x1: {  	(tag) =	ssettag $0x0;
	lr =	simm.s32 $0x1  }
0x2: {  	[smem:$0x3F99] =	sst lr;
	_ =	strace $0xD0000000  }
0x3: {  	_ = 	snop  }
0x4: {  	_ = 	snop  }
0x5: {  	_ = 	snop  }
0x6: {  	_ = 	snop  }
0x7: {  	_ = 	snop  }
__scs_overlays_trampoline_lowered:
0x8: {  	[smem:$0x3FA8] =	sst s0  }
0x9: {  	[smem:$0x3FA9] =	sst s1  }
0xa: {  	[smem:$0x3FAA] =	sst s2  }
0xb: {  	[smem:$0x3FAB] =	sst s3  }
0xc: {  	[smem:$0x3FAC] =	sst s4  }
0xd: {  	[smem:$0x3FAD] =	sst s5  }
0xe: {  	[smem:$0x3FAE] =	sst s6  }
0xf: {  	[smem:$0x3FAF] =	sst s7  }
0x10: {  	[smem:$0x3FB0] =	sst s8  }
0x11: {  	[smem:$0x3FB1] =	sst s9;
	s0 =	simm.s32 @!p0 $0x0  }
0x12: {  	s1 =	sld [smem:$0x3F97];
	s0 =	simm.s32 @p0 $0x1  }
0x13: {  	[smem:$0x3FB2] =	sst s0;
	s0 =	simm.s32 @!p1 $0x0  }
0x14: {  	s2 =	sld [smem:$0x3F96];
	s0 =	simm.s32 @p1 $0x1  }
0x15: {  	[smem:$0x3FB3] =	sst s0;
	s0 =	simm.s32 @!p2 $0x0  }
0x16: {  	s3 =	sld [smem:$0x3FDB];
	s0 =	simm.s32 @p2 $0x1  }
0x17: {  	s4 =	simm.s32 $0x1BF5;
	[smem:$0x3FB5] =	sst s0  }
0x18: {  	s0 =	sld [smem:$0x3F98];
	_ =	swait.ge [sflag:s4], $0x0  }
0x19: {  	s7 =	sld [smem:$0x3F99]  }
0x1a: {  	s8 =	sadd.s32 $0xFFFFE003, lr  }
0x1b: {  	s9 =	sadd.s32 $0xFFFFFEF7, lr;
	s5 =	simm.s32 $0xFFFFFFFF;
	p2 =	slt.u32 s8, $0xFFFFF086  }
0x1c: {  	p1 =	slt.u32 s9, $0xF7A;
	s5 =	simm.s32 @!p2 $0x0  }
0x1d: {  	s5 =	simm.s32 @p1 $0x1;
	p0 =	seq.s32 s7, s2  }
0x1e: {  	s7 =	smul.u32 @!p0 $0xF7A, s2;
	p2 =	seq.s32 @!p0 s5, $0x0  }
0x1f: {  	s9 =	smul.u32 $0xF7A, s1;
	s8 =	simm.s32 @!p0 $0x1BF5;
	p2 =	por !p2, p0  }
0x20: {  	[sflag:s8] =	ssyncset.s32 @!p0 $0xFFFFF086;
	s6 =	sadd.s32 @!p0 s3, s7;
	s7 =	simm.s32 @!p0 $0x108  }
0x21: {  	s3 =	sadd.s32 s3, s9;
	s6 =	sadd.s32 @!p0 $0x88, s6;
	s7 =	simm.s32 @p2 $0x1082  }
0x22: {  	[simem:s7], [sflag:s8] =	dma.local @!p0 [hbm:s6], $0xF7A  }
0x23: {  	s9 =	sor.u32 $0xD0000000, s2;
	s6 =	simm.s32 $0x108;
	_ =	swait.ge @!p0 [sflag:s8], $0x0  }
0x24: {  	s3 =	sadd.s32 $0x88, s3;
	s6 =	simm.s32 @!p1 $0x1082;
	[sflag:s4] =	ssyncset.s32 $0xFFFFF086  }
0x25: {  	[simem:s6], [sflag:s4] =	dma.local [hbm:s3], $0xF7A  }
0x26: {  	[smem:$0x3F99] =	sst s1;
	(tag) =	ssettag s2;
	_ =	strace s9  }
0x27: {  	s1 =	sld [smem:$0x3FA9]  }
0x28: {  	s2 =	sld [smem:$0x3FAA]  }
0x29: {  	s4 =	sld [smem:$0x3FAC]  }
0x2a: {  	p0 =	seq.s32 s5, $0x0;
	s5 =	sld [smem:$0x3FAD]  }
0x2b: {  	s6 =	sld [smem:$0x3FAE]  }
0x2c: {  	s7 =	sld [smem:$0x3FAF]  }
0x2d: {  	s3 =	simm.s32 $0x108;
	s8 =	sld [smem:$0x3FB0]  }
0x2e: {  	s3 =	simm.s32 @!p0 $0x1082;
	s9 =	sld [smem:$0x3FB1]  }
0x2f: {  	lr =	sadd.s32 s0, s3;
	s0 =	sld [smem:$0x3FA8]  }
0x30: {  	s3 =	sld [smem:$0x3FAB]  }
0x31: {  	[smem:$0x3FB4] =	sst s10  }
0x32: {  	s10 =	sld [smem:$0x3FB2];
	_ =	sdelay $0x3  }
0x33: {  	p0 =	seq.s32 s10, $0x1;
	s10 =	sld [smem:$0x3FB4];
	_ =	sdelay $0x3  }
0x34: {  	[smem:$0x3FB4] =	sst s10  }
0x35: {  	s10 =	sld [smem:$0x3FB3];
	_ =	sdelay $0x3  }
0x36: {  	p1 =	seq.s32 s10, $0x1;
	s10 =	sld [smem:$0x3FB4];
	_ =	sdelay $0x3  }
0x37: {  	[smem:$0x3FB4] =	sst s10  }
0x38: {  	s10 =	sld [smem:$0x3FB5]  }
0x39: {  	_ = 	snop;
	(pc) =	sbr.ind lr, $3  }
0x3a: {  	_ = 	snop  }
0x3b: {  	_ = 	snop  }
0x3c: {  	p2 =	seq.s32 s10, $0x1;
	s10 =	sld [smem:$0x3FB4]  }
0x3d: {  	_ =	shalt  }
0x3e: {  	_ =	shalt  }
0x3f: {  	_ =	shalt  }
0x40: {  	_ =	shalt  }
0x41: {  	_ =	shalt  }
0x42: {  	_ =	shalt  }
0x43: {  	_ =	shalt  }
0x44: {  	_ =	shalt  }
0x45: {  	_ =	shalt  }
0x46: {  	_ =	shalt  }
0x47: {  	_ =	shalt  }
0x48: {  	_ =	shalt  }
0x49: {  	_ =	shalt  }
0x4a: {  	_ =	shalt  }
0x4b: {  	_ =	shalt  }
0x4c: {  	_ =	shalt  }
0x4d: {  	_ =	shalt  }
0x4e: {  	_ =	shalt  }
0x4f: {  	_ =	shalt  }
0x50: {  	_ =	shalt  }
0x51: {  	_ =	shalt  }
0x52: {  	_ =	shalt  }
0x53: {  	_ =	shalt  }
0x54: {  	_ =	shalt  }
0x55: {  	_ =	shalt  }
0x56: {  	_ =	shalt  }
0x57: {  	_ =	shalt  }
0x58: {  	_ =	shalt  }
0x59: {  	_ =	shalt  }
0x5a: {  	_ =	shalt  }
0x5b: {  	_ =	shalt  }
0x5c: {  	_ =	shalt  }
0x5d: {  	_ =	shalt  }
0x5e: {  	_ =	shalt  }
0x5f: {  	_ =	shalt  }
0x60: {  	_ =	shalt  }
0x61: {  	_ =	shalt  }
0x62: {  	_ =	shalt  }
0x63: {  	_ =	shalt  }
0x64: {  	_ =	shalt  }
0x65: {  	_ =	shalt  }
0x66: {  	_ =	shalt  }
0x67: {  	_ =	shalt  }
0x68: {  	_ =	shalt  }
0x69: {  	_ =	shalt  }
0x6a: {  	_ =	shalt  }
0x6b: {  	_ =	shalt  }
0x6c: {  	_ =	shalt  }
0x6d: {  	_ =	shalt  }
0x6e: {  	_ =	shalt  }
0x6f: {  	_ =	shalt  }
0x70: {  	_ =	shalt  }
0x71: {  	_ =	shalt  }
0x72: {  	_ =	shalt  }
0x73: {  	_ =	shalt  }
0x74: {  	_ =	shalt  }
0x75: {  	_ =	shalt  }
0x76: {  	_ =	shalt  }
0x77: {  	_ =	shalt  }
0x78: {  	_ =	shalt  }
0x79: {  	_ =	shalt  }
0x7a: {  	_ =	shalt  }
0x7b: {  	_ =	shalt  }
0x7c: {  	_ =	shalt  }
0x7d: {  	_ =	shalt  }
0x7e: {  	_ =	shalt  }
0x7f: {  	_ =	shalt  }
0x80: {  	_ =	shalt  }
0x81: {  	_ =	shalt  }
0x82: {  	_ =	shalt  }
0x83: {  	_ =	shalt  }
0x84: {  	_ =	shalt  }
0x85: {  	_ =	shalt  }
0x86: {  	_ =	shalt  }
0x87: {  	_ =	shalt  }
.Lfunc_end0:
.L_simem_size_0:
called_computation.1_lowered:
.L_overlay_start_0:
0x88: {  	s2 =	sld [smem:$0x3FD9]  }
0x89: {  	s3 =	sld [smem:$0x3FFE];
	_ =	sdelay $0x1  }
0x8a: {  	s1 =	srdreg.scid  }
0x8b: {  	s0 =	sand.u32 $0x1, s1  }
0x8c: {  	s16 =	sshll.u32 s0, $0xA;
	s2 =	sadd.s32 s3, s2  }
0x8d: {  	s2 =	sadd.s32 s2, s16  }
0x8e: {  	[smem:$0x3FC0] =	sst s2  }
0x8f: {  	_ = 	snop  }
0x90: {  	(tm) =	ssettm $0x1  }
0x91: {  	s17 =	sld [smem:$0x3FFB];
	_ =	sdelay $0x3  }
0x92: {  	_ =	strace s17  }
0x93: {  	s2 =	sld [smem:$0x3FFC];
	_ =	sdelay $0x3  }
0x94: {  	_ =	strace s2  }
0x95: {  	s2 =	sld [smem:$0x3FFD];
	_ =	sdelay $0x3  }
0x96: {  	_ =	strace s2  }
0x97: {  	_ =	strace $0x8FFFFFFF  }
0x98: {  	s18 =	sld [smem:$0x3FDB];
	_ =	sdelay $0x1  }
0x99: {  	s19 =	simm.s32 $_scs_section_size  }
0x9a: {  	s4 =	simm.s32 $_size__tile_overlayer_lowered;
	s5 =	simm.s32 $_tile_overlayer_lowered  }
0x9b: {  	s22 =	simm.s32 $0x1BFF;
	s21 =	sshll.u32 s5, $0x1;
	s2 =	sadd.s32 s19, s18  }
0x9c: {  	s6 =	simm.s32 $0x0;
	s20 =	sshll.u32 s4, $0x1;
	s4 =	sadd.s32 s21, s2  }
0x9d: {  	[timem:s6], [sflag:s22] =	dma.local [hbm:s4], s20  }
0x9e: {  	_ =	swait.ge [sflag:s22], s20  }
0x9f: {  	s3 =	ssub.s32 $0x0, s20;
	[sflag:s22] =	ssyncset.done $0x0  }
0xa0: {  	[sflag:s22] =	ssyncadd.s32 s3;
	_ =	sdelay $0x1  }
0xa1: {  	s23 =	simm.s32 $0x1B8B  }
0xa2: {  	_ =	swait.ge [sflag:s23], $0x1  }
0xa3: {  	[sflag:s23] =	ssyncset.done $0x0  }
0xa4: {  	s25 =	simm.s32 $0x1B8E;
	s24 =	sld [smem:$0x3FFE];
	[sflag:s23] =	ssyncadd.s32 $0xFFFFFFFF  }
0xa5: {  	s26 =	simm.s32 $execute0_lowered;
	[smem:$0x3FD2] =	sst s25  }
0xa6: {  	s4 =	sshll.u32 s26, $0x1;
	_ =	strace $0x80000049;
	[dreg:$0x1] =	wrdreg $0xFFFFFFFF  }
0xa7: {  	s28 =	simm.s32 $_size_execute0_lowered;
	s2 =	sadd.s32 s2, s4;
	[dreg:$0x0] =	wrdreg $0x0  }
0xa8: {  	s4 =	sshll.u32 s28, $0x1;
	[dreg:$0x2] =	wrdreg s2  }
0xa9: {  	[dreg:$0x3] =	wrdreg s4  }
0xaa: {  	[dreg:$0x4] =	wrdreg $0xC0  }
0xab: {  	_ =	task [dreg:s6], $0x5FFFF  }
0xac: {  	[dreg:$0x1] =	wrdreg $0xFFFFFFFF  }
0xad: {  	[dreg:$0x0] =	wrdreg $0x60  }
0xae: {  	[dreg:$0x2] =	wrdreg s24  }
0xaf: {  	[dreg:$0x3] =	wrdreg $0x41000  }
0xb0: {  	[dreg:$0x4] =	wrdreg $0x9  }
0xb1: {  	_ =	task.clear_ibuf [dreg:s6], $0x5FFFF;
	_ =	strace $0x90000049  }
0xb2: {  	s29 =	simm.s32 $0x9;
	_ =	strace $0x8000004B  }
0xb3: {  	_ =	swait.ge [sflag:s29], $0x1  }
0xb4: {  	[sflag:s29] =	ssyncadd.s32 $0xFFFFFFFF  }
0xb5: {  	_ =	strace $0x9000004B  }
0xb6: {  	_ =	sfence  }
0xb7: {  	s30 =	sld [smem:$0x0];
	_ =	sdelay $0x2  }
0xb8: {  	s31 =	sshll.u32 s1, $0xD;
	s1 =	sshrl.u32 s1, $0x2  }
0xb9: {  	s3 =	sand.u32 $0x4000, s31;
	s1 =	sadd.s32 s1, s30  }
0xba: {  	s0 =	sor.u32 s3, s0;
	s1 =	sshll.u32 s1, $0x11  }
0xbb: {  	s0 =	sor.u32 s1, s0  }
0xbc: {  	s0 =	sadd.s32 $0x8F2B, s0  }
0xbd: {  	[sflag:s0] =	ssyncadd.remote.s32 $0x1  }
0xbe: {  	_ =	sfence.sel $0xFFFF  }
0xbf: {  	[dreg:$0x0] =	wrdreg $0xFFFFFFFF;
	(pc) =	sbr.abs _section_cstart, $3  }
0xc0: {  	[dreg:$0x1] =	wrdreg $0xFFFFFFFF  }
0xc1: {  	_ =	task.clear_ibuf [dreg:s6], $0x2FFFF;
	_ =	strace $0x9FFFFFFF  }
0xc2: {  	(tm) =	ssettm $0x7FFFFFFF  }
0xc3: {  	_ =	shalt  }
tec
execute0_lowered:
.L_overlay_start_1:
0x0: {  	(tag) =	ssettag $0x1  }
0x1: {  	s5 =	rddreg [dreg:$0x0];
	s0 =	srdreg.scid  }
0x2: {  	s1 =	rddreg [dreg:$0x1];
	s2 =	stileid.u32  }
0x3: {  	s3 =	simm.s32 $0x0;
	s14 =	simm.s32 $0x2;
	s9 =	smul.u32 $0x14000, s2  }
0x4: {  	s15 =	simm.s32 $0x80;
	s16 =	simm.s32 $0x1;
	s10 =	smul.u32 $0x50000, s2  }
0x5: {  	s6 =	sand.u32 $0x1, s0;
	s0 =	rddreg [dreg:$0x2];
	s13 =	smul.u32 $0xA00, s2  }
0x6: {  	s19 =	simm.s32 $0x0;
	[smem:$0x7FF] =	sst s3;
	s7 =	smul.u32 $0xA000, s6  }
0x7: {  	s4 =	sadd.s32 $0x2A400, s5;
	s17 =	sshll.u32 s2, $0x6;
	s8 =	smul.u32 $0x140000, s6  }
0x8: {  	_ =	strace $0x8000004A;
	s6 =	ssub.s32 $0x2, s6;
	s17 =	sor.u32 $0x1C02, s17  }
0x9: {  	s29 =	sshrl.u32 s10, $0x2;
	s31 =	sshrl.u32 s6, $0x1;
	s28 =	sadd.s32 s9, s8  }
0xa: {  	s12 =	sadd.s32 s7, s5;
	s11 =	ssub.s32 s6, s31;
	s7 =	sshrl.u32 s28, $0x3  }
0xb: {  	s11 =	smax.u32 s11, $0x1;
	s12 =	sadd.s32 s13, s12;
	s13 =	simm.s32 $0x100  }
0xc: {  	s30 =	sadd.s32 s7, s5;
	s5 =	sadd.s32 s29, s1;
	s12 =	sadd.s32 $0x16400, s12  }
0xd: {  	s6 =	sadd.s32 $0x4000, s5;
	s7 =	sadd.s32 $0x8000, s5;
	s8 =	sadd.s32 $0xC000, s5  }
0xe: {  	v0 =	vimm.f32 $0.0e+00;
	s9 =	sadd.s32 $0x10000, s5;
	s10 =	sadd.s32 $0x52400, s30;
	s18 =	sshrl.u32 s5, $0x3  }
.LBB2_1:
0xf: {  	s20 =	simm.s32 $0x0;
	s21 =	simm.s32 $0x200  }
.LBB2_2:
0x10: {  	p0 =	sne.s32 s21, $0xFE00;
	[tilespmem:s20+$0x170] =	vst v0  }
0x11: {  	[tilespmem:s20+$0x100] =	vst v0  }
0x12: {  	[tilespmem:s20+$0x110] =	vst v0  }
.Ltmp0:
0x13: {  	[tilespmem:s20+$0x120] =	vst v0;
	(pc) =	sbr.rel @p0 .LBB2_2-.Ltmp0, $4  }
0x14: {  	[tilespmem:s20+$0x130] =	vst v0  }
0x15: {  	[tilespmem:s20+$0x140] =	vst v0  }
0x16: {  	[tilespmem:s20+$0x150] =	vst v0  }
0x17: {  	[tilespmem:s20+$0x160] =	vst v0;
	s20 =	sshra.s32 s21, $0x2;
	s21 =	sadd.s32 $0x200, s21  }
0x18: {  	[tilespmem:s20+$0x170] =	vst v0  }
0x19: {  	[tilespmem:s20+$0x100] =	vst v0  }
0x1a: {  	[tilespmem:s20+$0x110] =	vst v0  }
0x1b: {  	[tilespmem:s20+$0x120] =	vst v0  }
0x1c: {  	[tilespmem:s20+$0x130] =	vst v0  }
0x1d: {  	[tilespmem:s20+$0x140] =	vst v0  }
0x1e: {  	[tilespmem:s20+$0x150] =	vst v0  }
0x1f: {  	[tilespmem:s20+$0x160] =	vst v0  }
0x20: {  	[spmem:s5] =	stream.linear.scatter [tilespmem:s13], [sflag:$0x2], $0x4000, $0x38;
	[tilespmem:$0x18100] =	vst v63  }
0x21: {  	_ =	swait.ge [sflag:s14], $0x4000  }
0x22: {  	[sflag:s14] =	ssyncset.done $0x0  }
0x23: {  	[sflag:s14] =	ssyncadd.s32 $0xFFFFC000  }
0x24: {  	[spmem:s6] =	stream.linear.scatter [tilespmem:s13], [sflag:$0x2], $0x4000, $0x38;
	[tilespmem:$0x18100] =	vst v63  }
0x25: {  	_ =	swait.ge [sflag:s14], $0x4000  }
0x26: {  	[sflag:s14] =	ssyncset.done $0x0  }
0x27: {  	[sflag:s14] =	ssyncadd.s32 $0xFFFFC000  }
0x28: {  	[spmem:s7] =	stream.linear.scatter [tilespmem:s13], [sflag:$0x2], $0x4000, $0x38;
	[tilespmem:$0x18100] =	vst v63  }
0x29: {  	_ =	swait.ge [sflag:s14], $0x4000  }
0x2a: {  	[sflag:s14] =	ssyncset.done $0x0  }
0x2b: {  	[sflag:s14] =	ssyncadd.s32 $0xFFFFC000  }
0x2c: {  	[spmem:s8] =	stream.linear.scatter [tilespmem:s13], [sflag:$0x2], $0x4000, $0x38;
	[tilespmem:$0x18100] =	vst v63  }
0x2d: {  	_ =	swait.ge [sflag:s14], $0x4000  }
0x2e: {  	[sflag:s14] =	ssyncset.done $0x0  }
0x2f: {  	[sflag:s14] =	ssyncadd.s32 $0xFFFFC000  }
0x30: {  	[spmem:s9] =	stream.linear.scatter [tilespmem:s13], [sflag:$0x2], $0x4000, $0x38;
	[tilespmem:$0x18100] =	vst v63  }
0x31: {  	_ =	swait.ge [sflag:s14], $0x4000  }
0x32: {  	[sflag:s14] =	ssyncset.done $0x0  }
0x33: {  	[sflag:s14] =	ssyncadd.s32 $0xFFFFC000  }
0x34: {  	s31 =	sadd.s32 $0x0, s12;
	[bflag:$0x0] =	sbarrier.arrive $0xFFFF  }
0x35: {  	[tilespmem:s3], [sflag:$0x2] =	stream.linear.gather [hbm4b:s31+s3], $0x100, $0x38;
	[tilespmem:$0x18100] =	vst v63  }
0x36: {  	_ =	swait.ge [sflag:s14], $0x100  }
0x37: {  	[sflag:s14] =	ssyncset.done $0x0  }
0x38: {  	[sflag:s14] =	ssyncadd.s32 $0xFFFFFF00  }
0x39: {  	[tilespmem:s13], [sflag:$0x1] =	stream.indirect.gather [hbm4b:s4+s15], $0x80, s3, s15, $0xb8;
	[tilespmem:$0x18100] =	vst v63  }
0x3a: {  	_ =	swait.ge [sflag:s16], $0x4000  }
0x3b: {  	[sflag:s16] =	ssyncset.done $0x0  }
0x3c: {  	[sflag:s16] =	ssyncadd.s32 $0xFFFFC000  }
0x3d: {  	[spmem:s1] =	stream.indirect.scatter.add.f32 [tilespmem:s13], [sflag:$0x2], $0x80, s15, s15, $0xb8;
	[tilespmem:$0x18100] =	vst v63  }
0x3e: {  	_ =	swait.ge [sflag:s14], $0x4000  }
0x3f: {  	s20 =	simm.s32 $0x20;
	s21 =	simm.s32 $0x40;
	[sflag:s14] =	ssyncset.done $0x0  }
.LBB2_4:
0x40: {  	s22 =	sadd.s32 s20, s12  }
0x41: {  	[sflag:s14] =	ssyncadd.s32 $0xFFFFC000;
	s20 =	smov.u32 s21;
	s23 =	sadd.s32 $0x20, s21  }
0x42: {  	[tilespmem:s3], [sflag:$0x2] =	stream.linear.gather [hbm4b:s22+s3], $0x100, $0x38;
	[tilespmem:$0x18100] =	vst v63  }
0x43: {  	p0 =	sne.s32 s21, $0x9E0;
	_ =	swait.ge [sflag:s14], $0x100  }
0x44: {  	[sflag:s14] =	ssyncset.done $0x0  }
0x45: {  	[sflag:s14] =	ssyncadd.s32 $0xFFFFFF00  }
0x46: {  	[tilespmem:s13], [sflag:$0x1] =	stream.indirect.gather [hbm4b:s4+s15], $0x80, s3, s15, $0xb8;
	[tilespmem:$0x18100] =	vst v63  }
0x47: {  	_ =	swait.ge [sflag:s16], $0x4000  }
.Ltmp1:
0x48: {  	[sflag:s16] =	ssyncset.done $0x0;
	(pc) =	sbr.rel @p0 .LBB2_4-.Ltmp1, $4  }
0x49: {  	[sflag:s16] =	ssyncadd.s32 $0xFFFFC000  }
0x4a: {  	[spmem:s1] =	stream.indirect.scatter.add.f32 [tilespmem:s13], [sflag:$0x2], $0x80, s15, s15, $0xb8;
	[tilespmem:$0x18100] =	vst v63  }
0x4b: {  	_ =	swait.ge [sflag:s14], $0x4000  }
0x4c: {  	s21 =	smov.u32 s23;
	[sflag:s14] =	ssyncset.done $0x0  }
0x4d: {  	s20 =	sadd.s32 s20, s12;
	[sflag:s14] =	ssyncadd.s32 $0xFFFFC000  }
0x4e: {  	[tilespmem:s3], [sflag:$0x2] =	stream.linear.gather [hbm4b:s20+s3], $0x100, $0x38;
	[tilespmem:$0x18100] =	vst v63  }
0x4f: {  	_ =	swait.ge [sflag:s14], $0x100  }
0x50: {  	[sflag:s14] =	ssyncset.done $0x0  }
0x51: {  	[sflag:s14] =	ssyncadd.s32 $0xFFFFFF00  }
0x52: {  	[tilespmem:s13], [sflag:$0x1] =	stream.indirect.gather [hbm4b:s4+s15], $0x80, s3, s15, $0xb8;
	[tilespmem:$0x18100] =	vst v63  }
0x53: {  	_ =	swait.ge [sflag:s16], $0x4000  }
0x54: {  	[sflag:s16] =	ssyncset.done $0x0  }
0x55: {  	[sflag:s16] =	ssyncadd.s32 $0xFFFFC000  }
0x56: {  	[spmem:s1] =	stream.indirect.scatter.add.f32 [tilespmem:s13], [sflag:$0x2], $0x80, s15, s15, $0xb8;
	[tilespmem:$0x18100] =	vst v63  }
0x57: {  	_ =	swait.ge [sflag:s14], $0x4000  }
0x58: {  	s19 =	sadd.s32 $0x1, s19;
	[sflag:s14] =	ssyncset.done $0x0  }
0x59: {  	p0 =	sne.s32 s19, s11;
	[sflag:s14] =	ssyncadd.s32 $0xFFFFC000  }
.Ltmp2:
0x5a: {  	[bflag:$0x0] =	sbarrier.arrive $0xFFFF;
	(pc) =	sbr.rel @p0 .LBB2_1-.Ltmp2, $4  }
0x5b: {  	[hbm:s10], [sflag:s17] =	dma.local [spmem:s18], $0x2800  }
0x5c: {  	_ =	swait.ge [sflag:s14], $0x2800  }
0x5d: {  	[sflag:s14] =	ssyncset.done $0x0  }
0x5e: {  	[sflag:s14] =	ssyncadd.s32 $0xFFFFD800  }
0x5f: {  	_ =	sfence.sel $0x180000  }
0x60: {  	[bflag:$0x0] =	sbarrier.arrive $0xFFFF  }
0x61: {  	p0 =	sne.s32 s2, $0x0;
	_ =	strace $0x9000004A  }
0x62: {  	s0 =	sadd.s32 @!p0 $0x100000, s0;
	[bflag:$0x2] =	sbarrier.arrive $0xFFFF  }
0x63: {  	[sflag:s0] =	ssyncadd.tile.s32 @!p0 $0x1;
	_ =	shalt  }
.Lfunc_end2:
_tile_overlayer_lowered:
.L_overlay_start_2:
0x64: {  	(tag) =	ssettag $0x2  }
0x65: {  	s0 =	rddreg [dreg:$0x0];
	s2 =	stileid.u32  }
0x66: {  	s1 =	rddreg [dreg:$0x1];
	p0 =	sne.s32 s2, $0x0  }
0x67: {  	s3 =	rddreg [dreg:$0x2];
	[bflag:$0x3] =	sbarrier.arrive $0xFFFF;
	s2 =	simm.s32 @!p0 $0x1C02  }
0x68: {  	[timem:s3], [sflag:s2] =	dma.local @!p0 [hbm:s0], s1  }
0x69: {  	s0 =	simm.s32 @!p0 $0x2  }
0x6a: {  	_ =	swait.ge @!p0 [sflag:s0], s1  }
0x6b: {  	s1 =	ssub.s32 @!p0 $0x0, s1;
	[sflag:s0] =	ssyncset.done @!p0 $0x0  }
0x6c: {  	[sflag:s0] =	ssyncadd.s32 @!p0 s1  }
0x6d: {  	[bflag:$0x3] =	sbarrier.arrive $0xFFFF  }
0x6e: {  	_ =	shalt  }

// kernel: kernel.14.cloned.1.call-start
scs
__scs_entry_jumppad:
0x0: {  	(pc) =	sbr.rel $0x88, $3  }
0x1: {  	(tag) =	ssettag $0x0;
	lr =	simm.s32 $0x1  }
0x2: {  	[smem:$0x3F99] =	sst lr;
	_ =	strace $0xD0000000  }
0x3: {  	_ = 	snop  }
0x4: {  	_ = 	snop  }
0x5: {  	_ = 	snop  }
0x6: {  	_ = 	snop  }
0x7: {  	_ = 	snop  }
__scs_overlays_trampoline_lowered:
0x8: {  	[smem:$0x3FA8] =	sst s0  }
0x9: {  	[smem:$0x3FA9] =	sst s1  }
0xa: {  	[smem:$0x3FAA] =	sst s2  }
0xb: {  	[smem:$0x3FAB] =	sst s3  }
0xc: {  	[smem:$0x3FAC] =	sst s4  }
0xd: {  	[smem:$0x3FAD] =	sst s5  }
0xe: {  	[smem:$0x3FAE] =	sst s6  }
0xf: {  	[smem:$0x3FAF] =	sst s7  }
0x10: {  	[smem:$0x3FB0] =	sst s8  }
0x11: {  	[smem:$0x3FB1] =	sst s9;
	s0 =	simm.s32 @!p0 $0x0  }
0x12: {  	s1 =	sld [smem:$0x3F97];
	s0 =	simm.s32 @p0 $0x1  }
0x13: {  	[smem:$0x3FB2] =	sst s0;
	s0 =	simm.s32 @!p1 $0x0  }
0x14: {  	s2 =	sld [smem:$0x3F96];
	s0 =	simm.s32 @p1 $0x1  }
0x15: {  	[smem:$0x3FB3] =	sst s0;
	s0 =	simm.s32 @!p2 $0x0  }
0x16: {  	s3 =	sld [smem:$0x3FDB];
	s0 =	simm.s32 @p2 $0x1  }
0x17: {  	s4 =	simm.s32 $0x1BF5;
	[smem:$0x3FB5] =	sst s0  }
0x18: {  	s0 =	sld [smem:$0x3F98];
	_ =	swait.ge [sflag:s4], $0x0  }
0x19: {  	s7 =	sld [smem:$0x3F99]  }
0x1a: {  	s8 =	sadd.s32 $0xFFFFE003, lr  }
0x1b: {  	s9 =	sadd.s32 $0xFFFFFEF7, lr;
	s5 =	simm.s32 $0xFFFFFFFF;
	p2 =	slt.u32 s8, $0xFFFFF086  }
0x1c: {  	p1 =	slt.u32 s9, $0xF7A;
	s5 =	simm.s32 @!p2 $0x0  }
0x1d: {  	s5 =	simm.s32 @p1 $0x1;
	p0 =	seq.s32 s7, s2  }
0x1e: {  	s7 =	smul.u32 @!p0 $0xF7A, s2;
	p2 =	seq.s32 @!p0 s5, $0x0  }
0x1f: {  	s9 =	smul.u32 $0xF7A, s1;
	s8 =	simm.s32 @!p0 $0x1BF5;
	p2 =	por !p2, p0  }
0x20: {  	[sflag:s8] =	ssyncset.s32 @!p0 $0xFFFFF086;
	s6 =	sadd.s32 @!p0 s3, s7;
	s7 =	simm.s32 @!p0 $0x108  }
0x21: {  	s3 =	sadd.s32 s3, s9;
	s6 =	sadd.s32 @!p0 $0x88, s6;
	s7 =	simm.s32 @p2 $0x1082  }
0x22: {  	[simem:s7], [sflag:s8] =	dma.local @!p0 [hbm:s6], $0xF7A  }
0x23: {  	s9 =	sor.u32 $0xD0000000, s2;
	s6 =	simm.s32 $0x108;
	_ =	swait.ge @!p0 [sflag:s8], $0x0  }
0x24: {  	s3 =	sadd.s32 $0x88, s3;
	s6 =	simm.s32 @!p1 $0x1082;
	[sflag:s4] =	ssyncset.s32 $0xFFFFF086  }
0x25: {  	[simem:s6], [sflag:s4] =	dma.local [hbm:s3], $0xF7A  }
0x26: {  	[smem:$0x3F99] =	sst s1;
	(tag) =	ssettag s2;
	_ =	strace s9  }
0x27: {  	s1 =	sld [smem:$0x3FA9]  }
0x28: {  	s2 =	sld [smem:$0x3FAA]  }
0x29: {  	s4 =	sld [smem:$0x3FAC]  }
0x2a: {  	p0 =	seq.s32 s5, $0x0;
	s5 =	sld [smem:$0x3FAD]  }
0x2b: {  	s6 =	sld [smem:$0x3FAE]  }
0x2c: {  	s7 =	sld [smem:$0x3FAF]  }
0x2d: {  	s3 =	simm.s32 $0x108;
	s8 =	sld [smem:$0x3FB0]  }
0x2e: {  	s3 =	simm.s32 @!p0 $0x1082;
	s9 =	sld [smem:$0x3FB1]  }
0x2f: {  	lr =	sadd.s32 s0, s3;
	s0 =	sld [smem:$0x3FA8]  }
0x30: {  	s3 =	sld [smem:$0x3FAB]  }
0x31: {  	[smem:$0x3FB4] =	sst s10  }
0x32: {  	s10 =	sld [smem:$0x3FB2];
	_ =	sdelay $0x3  }
0x33: {  	p0 =	seq.s32 s10, $0x1;
	s10 =	sld [smem:$0x3FB4];
	_ =	sdelay $0x3  }
0x34: {  	[smem:$0x3FB4] =	sst s10  }
0x35: {  	s10 =	sld [smem:$0x3FB3];
	_ =	sdelay $0x3  }
0x36: {  	p1 =	seq.s32 s10, $0x1;
	s10 =	sld [smem:$0x3FB4];
	_ =	sdelay $0x3  }
0x37: {  	[smem:$0x3FB4] =	sst s10  }
0x38: {  	s10 =	sld [smem:$0x3FB5]  }
0x39: {  	_ = 	snop;
	(pc) =	sbr.ind lr, $3  }
0x3a: {  	_ = 	snop  }
0x3b: {  	_ = 	snop  }
0x3c: {  	p2 =	seq.s32 s10, $0x1;
	s10 =	sld [smem:$0x3FB4]  }
0x3d: {  	_ =	shalt  }
0x3e: {  	_ =	shalt  }
0x3f: {  	_ =	shalt  }
0x40: {  	_ =	shalt  }
0x41: {  	_ =	shalt  }
0x42: {  	_ =	shalt  }
0x43: {  	_ =	shalt  }
0x44: {  	_ =	shalt  }
0x45: {  	_ =	shalt  }
0x46: {  	_ =	shalt  }
0x47: {  	_ =	shalt  }
0x48: {  	_ =	shalt  }
0x49: {  	_ =	shalt  }
0x4a: {  	_ =	shalt  }
0x4b: {  	_ =	shalt  }
0x4c: {  	_ =	shalt  }
0x4d: {  	_ =	shalt  }
0x4e: {  	_ =	shalt  }
0x4f: {  	_ =	shalt  }
0x50: {  	_ =	shalt  }
0x51: {  	_ =	shalt  }
0x52: {  	_ =	shalt  }
0x53: {  	_ =	shalt  }
0x54: {  	_ =	shalt  }
0x55: {  	_ =	shalt  }
0x56: {  	_ =	shalt  }
0x57: {  	_ =	shalt  }
0x58: {  	_ =	shalt  }
0x59: {  	_ =	shalt  }
0x5a: {  	_ =	shalt  }
0x5b: {  	_ =	shalt  }
0x5c: {  	_ =	shalt  }
0x5d: {  	_ =	shalt  }
0x5e: {  	_ =	shalt  }
0x5f: {  	_ =	shalt  }
0x60: {  	_ =	shalt  }
0x61: {  	_ =	shalt  }
0x62: {  	_ =	shalt  }
0x63: {  	_ =	shalt  }
0x64: {  	_ =	shalt  }
0x65: {  	_ =	shalt  }
0x66: {  	_ =	shalt  }
0x67: {  	_ =	shalt  }
0x68: {  	_ =	shalt  }
0x69: {  	_ =	shalt  }
0x6a: {  	_ =	shalt  }
0x6b: {  	_ =	shalt  }
0x6c: {  	_ =	shalt  }
0x6d: {  	_ =	shalt  }
0x6e: {  	_ =	shalt  }
0x6f: {  	_ =	shalt  }
0x70: {  	_ =	shalt  }
0x71: {  	_ =	shalt  }
0x72: {  	_ =	shalt  }
0x73: {  	_ =	shalt  }
0x74: {  	_ =	shalt  }
0x75: {  	_ =	shalt  }
0x76: {  	_ =	shalt  }
0x77: {  	_ =	shalt  }
0x78: {  	_ =	shalt  }
0x79: {  	_ =	shalt  }
0x7a: {  	_ =	shalt  }
0x7b: {  	_ =	shalt  }
0x7c: {  	_ =	shalt  }
0x7d: {  	_ =	shalt  }
0x7e: {  	_ =	shalt  }
0x7f: {  	_ =	shalt  }
0x80: {  	_ =	shalt  }
0x81: {  	_ =	shalt  }
0x82: {  	_ =	shalt  }
0x83: {  	_ =	shalt  }
0x84: {  	_ =	shalt  }
0x85: {  	_ =	shalt  }
0x86: {  	_ =	shalt  }
0x87: {  	_ =	shalt  }
.Lfunc_end0:
.L_simem_size_0:
called_computation.2_lowered:
.L_overlay_start_0:
0x88: {  	s2 =	sld [smem:$0x3FD9]  }
0x89: {  	s3 =	sld [smem:$0x3FFE];
	_ =	sdelay $0x1  }
0x8a: {  	s1 =	srdreg.scid  }
0x8b: {  	s0 =	sand.u32 $0x1, s1  }
0x8c: {  	s16 =	sshll.u32 s0, $0xA;
	s2 =	sadd.s32 s3, s2  }
0x8d: {  	s2 =	sadd.s32 s2, s16  }
0x8e: {  	[smem:$0x3FC0] =	sst s2  }
0x8f: {  	_ = 	snop  }
0x90: {  	(tm) =	ssettm $0x1  }
0x91: {  	s17 =	sld [smem:$0x3FFB];
	_ =	sdelay $0x3  }
0x92: {  	_ =	strace s17  }
0x93: {  	s2 =	sld [smem:$0x3FFC];
	_ =	sdelay $0x3  }
0x94: {  	_ =	strace s2  }
0x95: {  	s2 =	sld [smem:$0x3FFD];
	_ =	sdelay $0x3  }
0x96: {  	_ =	strace s2  }
0x97: {  	_ =	strace $0x8FFFFFFF  }
0x98: {  	s18 =	sld [smem:$0x3FDB];
	_ =	sdelay $0x1  }
0x99: {  	s19 =	simm.s32 $_scs_section_size  }
0x9a: {  	s4 =	simm.s32 $_size__tile_overlayer_lowered;
	s5 =	simm.s32 $_tile_overlayer_lowered  }
0x9b: {  	s22 =	simm.s32 $0x1BFF;
	s21 =	sshll.u32 s5, $0x1;
	s2 =	sadd.s32 s19, s18  }
0x9c: {  	s6 =	simm.s32 $0x0;
	s20 =	sshll.u32 s4, $0x1;
	s4 =	sadd.s32 s21, s2  }
0x9d: {  	[timem:s6], [sflag:s22] =	dma.local [hbm:s4], s20  }
0x9e: {  	_ =	swait.ge [sflag:s22], s20  }
0x9f: {  	s3 =	ssub.s32 $0x0, s20;
	[sflag:s22] =	ssyncset.done $0x0  }
0xa0: {  	[sflag:s22] =	ssyncadd.s32 s3;
	_ =	sdelay $0x1  }
0xa1: {  	s23 =	simm.s32 $0x1B8B  }
0xa2: {  	_ =	swait.ge [sflag:s23], $0x1  }
0xa3: {  	[sflag:s23] =	ssyncset.done $0x0  }
0xa4: {  	s25 =	simm.s32 $0x1B8E;
	s24 =	sld [smem:$0x3FFE];
	[sflag:s23] =	ssyncadd.s32 $0xFFFFFFFF  }
0xa5: {  	s26 =	simm.s32 $execute0_lowered;
	[smem:$0x3FD2] =	sst s25  }
0xa6: {  	s4 =	sshll.u32 s26, $0x1;
	_ =	strace $0x8000004C;
	[dreg:$0x1] =	wrdreg $0xFFFFFFFF  }
0xa7: {  	s28 =	simm.s32 $_size_execute0_lowered;
	s2 =	sadd.s32 s2, s4;
	[dreg:$0x0] =	wrdreg $0x0  }
0xa8: {  	s4 =	sshll.u32 s28, $0x1;
	[dreg:$0x2] =	wrdreg s2  }
0xa9: {  	[dreg:$0x3] =	wrdreg s4  }
0xaa: {  	[dreg:$0x4] =	wrdreg $0xC0  }
0xab: {  	_ =	task [dreg:s6], $0x5FFFF  }
0xac: {  	[dreg:$0x1] =	wrdreg $0xFFFFFFFF  }
0xad: {  	[dreg:$0x0] =	wrdreg $0x60  }
0xae: {  	[dreg:$0x2] =	wrdreg s24  }
0xaf: {  	[dreg:$0x3] =	wrdreg $0x41000  }
0xb0: {  	[dreg:$0x4] =	wrdreg $0x9  }
0xb1: {  	_ =	task.clear_ibuf [dreg:s6], $0x5FFFF;
	_ =	strace $0x9000004C  }
0xb2: {  	s29 =	simm.s32 $0x9;
	_ =	strace $0x8000004E  }
0xb3: {  	_ =	swait.ge [sflag:s29], $0x1  }
0xb4: {  	[sflag:s29] =	ssyncadd.s32 $0xFFFFFFFF  }
0xb5: {  	_ =	strace $0x9000004E  }
0xb6: {  	_ =	sfence  }
0xb7: {  	s30 =	sld [smem:$0x0];
	_ =	sdelay $0x2  }
0xb8: {  	s31 =	sshll.u32 s1, $0xD;
	s1 =	sshrl.u32 s1, $0x2  }
0xb9: {  	s3 =	sand.u32 $0x4000, s31;
	s1 =	sadd.s32 s1, s30  }
0xba: {  	s0 =	sor.u32 s3, s0;
	s1 =	sshll.u32 s1, $0x11  }
0xbb: {  	s0 =	sor.u32 s1, s0  }
0xbc: {  	s0 =	sadd.s32 $0x8F2B, s0  }
0xbd: {  	[sflag:s0] =	ssyncadd.remote.s32 $0x1  }
0xbe: {  	_ =	sfence.sel $0xFFFF  }
0xbf: {  	[dreg:$0x0] =	wrdreg $0xFFFFFFFF;
	(pc) =	sbr.abs _section_cstart, $3  }
0xc0: {  	[dreg:$0x1] =	wrdreg $0xFFFFFFFF  }
0xc1: {  	_ =	task.clear_ibuf [dreg:s6], $0x2FFFF;
	_ =	strace $0x9FFFFFFF  }
0xc2: {  	(tm) =	ssettm $0x7FFFFFFF  }
0xc3: {  	_ =	shalt  }
tec
execute0_lowered:
.L_overlay_start_1:
0x0: {  	(tag) =	ssettag $0x1  }
0x1: {  	s5 =	rddreg [dreg:$0x0];
	s0 =	srdreg.scid  }
0x2: {  	s1 =	rddreg [dreg:$0x1];
	s2 =	stileid.u32  }
0x3: {  	s3 =	simm.s32 $0x0;
	s14 =	simm.s32 $0x2;
	s9 =	smul.u32 $0x14000, s2  }
0x4: {  	s15 =	simm.s32 $0x80;
	s16 =	simm.s32 $0x1;
	s10 =	smul.u32 $0x50000, s2  }
0x5: {  	s6 =	sand.u32 $0x1, s0;
	s0 =	rddreg [dreg:$0x2];
	s13 =	smul.u32 $0xA00, s2  }
0x6: {  	s19 =	simm.s32 $0x0;
	[smem:$0x7FF] =	sst s3;
	s7 =	smul.u32 $0xA000, s6  }
0x7: {  	s4 =	sadd.s32 $0x2A400, s5;
	s17 =	sshll.u32 s2, $0x6;
	s8 =	smul.u32 $0x140000, s6  }
0x8: {  	_ =	strace $0x8000004D;
	s6 =	ssub.s32 $0x2, s6;
	s17 =	sor.u32 $0x1C02, s17  }
0x9: {  	s29 =	sshrl.u32 s10, $0x2;
	s31 =	sshrl.u32 s6, $0x1;
	s28 =	sadd.s32 s9, s8  }
0xa: {  	s12 =	sadd.s32 s7, s5;
	s11 =	ssub.s32 s6, s31;
	s7 =	sshrl.u32 s28, $0x3  }
0xb: {  	s11 =	smax.u32 s11, $0x1;
	s12 =	sadd.s32 s13, s12;
	s13 =	simm.s32 $0x100  }
0xc: {  	s30 =	sadd.s32 s7, s5;
	s5 =	sadd.s32 s29, s1;
	s12 =	sadd.s32 $0x16400, s12  }
0xd: {  	s6 =	sadd.s32 $0x4000, s5;
	s7 =	sadd.s32 $0x8000, s5;
	s8 =	sadd.s32 $0xC000, s5  }
0xe: {  	v0 =	vimm.f32 $0.0e+00;
	s9 =	sadd.s32 $0x10000, s5;
	s10 =	sadd.s32 $0x52400, s30;
	s18 =	sshrl.u32 s5, $0x3  }
.LBB2_1:
0xf: {  	s20 =	simm.s32 $0x0;
	s21 =	simm.s32 $0x200  }
.LBB2_2:
0x10: {  	p0 =	sne.s32 s21, $0xFE00;
	[tilespmem:s20+$0x170] =	vst v0  }
0x11: {  	[tilespmem:s20+$0x100] =	vst v0  }
0x12: {  	[tilespmem:s20+$0x110] =	vst v0  }
.Ltmp0:
0x13: {  	[tilespmem:s20+$0x120] =	vst v0;
	(pc) =	sbr.rel @p0 .LBB2_2-.Ltmp0, $4  }
0x14: {  	[tilespmem:s20+$0x130] =	vst v0  }
0x15: {  	[tilespmem:s20+$0x140] =	vst v0  }
0x16: {  	[tilespmem:s20+$0x150] =	vst v0  }
0x17: {  	[tilespmem:s20+$0x160] =	vst v0;
	s20 =	sshra.s32 s21, $0x2;
	s21 =	sadd.s32 $0x200, s21  }
0x18: {  	[tilespmem:s20+$0x170] =	vst v0  }
0x19: {  	[tilespmem:s20+$0x100] =	vst v0  }
0x1a: {  	[tilespmem:s20+$0x110] =	vst v0  }
0x1b: {  	[tilespmem:s20+$0x120] =	vst v0  }
0x1c: {  	[tilespmem:s20+$0x130] =	vst v0  }
0x1d: {  	[tilespmem:s20+$0x140] =	vst v0  }
0x1e: {  	[tilespmem:s20+$0x150] =	vst v0  }
0x1f: {  	[tilespmem:s20+$0x160] =	vst v0  }
0x20: {  	[spmem:s5] =	stream.linear.scatter [tilespmem:s13], [sflag:$0x2], $0x4000, $0x38;
	[tilespmem:$0x18100] =	vst v63  }
0x21: {  	_ =	swait.ge [sflag:s14], $0x4000  }
0x22: {  	[sflag:s14] =	ssyncset.done $0x0  }
0x23: {  	[sflag:s14] =	ssyncadd.s32 $0xFFFFC000  }
0x24: {  	[spmem:s6] =	stream.linear.scatter [tilespmem:s13], [sflag:$0x2], $0x4000, $0x38;
	[tilespmem:$0x18100] =	vst v63  }
0x25: {  	_ =	swait.ge [sflag:s14], $0x4000  }
0x26: {  	[sflag:s14] =	ssyncset.done $0x0  }
0x27: {  	[sflag:s14] =	ssyncadd.s32 $0xFFFFC000  }
0x28: {  	[spmem:s7] =	stream.linear.scatter [tilespmem:s13], [sflag:$0x2], $0x4000, $0x38;
	[tilespmem:$0x18100] =	vst v63  }
0x29: {  	_ =	swait.ge [sflag:s14], $0x4000  }
0x2a: {  	[sflag:s14] =	ssyncset.done $0x0  }
0x2b: {  	[sflag:s14] =	ssyncadd.s32 $0xFFFFC000  }
0x2c: {  	[spmem:s8] =	stream.linear.scatter [tilespmem:s13], [sflag:$0x2], $0x4000, $0x38;
	[tilespmem:$0x18100] =	vst v63  }
0x2d: {  	_ =	swait.ge [sflag:s14], $0x4000  }
0x2e: {  	[sflag:s14] =	ssyncset.done $0x0  }
0x2f: {  	[sflag:s14] =	ssyncadd.s32 $0xFFFFC000  }
0x30: {  	[spmem:s9] =	stream.linear.scatter [tilespmem:s13], [sflag:$0x2], $0x4000, $0x38;
	[tilespmem:$0x18100] =	vst v63  }
0x31: {  	_ =	swait.ge [sflag:s14], $0x4000  }
0x32: {  	[sflag:s14] =	ssyncset.done $0x0  }
0x33: {  	[sflag:s14] =	ssyncadd.s32 $0xFFFFC000  }
0x34: {  	s31 =	sadd.s32 $0x0, s12;
	[bflag:$0x0] =	sbarrier.arrive $0xFFFF  }
0x35: {  	[tilespmem:s3], [sflag:$0x2] =	stream.linear.gather [hbm4b:s31+s3], $0x100, $0x38;
	[tilespmem:$0x18100] =	vst v63  }
0x36: {  	_ =	swait.ge [sflag:s14], $0x100  }
0x37: {  	[sflag:s14] =	ssyncset.done $0x0  }
0x38: {  	[sflag:s14] =	ssyncadd.s32 $0xFFFFFF00  }
0x39: {  	[tilespmem:s13], [sflag:$0x1] =	stream.indirect.gather [hbm4b:s4+s15], $0x80, s3, s15, $0xb8;
	[tilespmem:$0x18100] =	vst v63  }
0x3a: {  	_ =	swait.ge [sflag:s16], $0x4000  }
0x3b: {  	[sflag:s16] =	ssyncset.done $0x0  }
0x3c: {  	[sflag:s16] =	ssyncadd.s32 $0xFFFFC000  }
0x3d: {  	[spmem:s1] =	stream.indirect.scatter.add.f32 [tilespmem:s13], [sflag:$0x2], $0x80, s15, s15, $0xb8;
	[tilespmem:$0x18100] =	vst v63  }
0x3e: {  	_ =	swait.ge [sflag:s14], $0x4000  }
0x3f: {  	s20 =	simm.s32 $0x20;
	s21 =	simm.s32 $0x40;
	[sflag:s14] =	ssyncset.done $0x0  }
.LBB2_4:
0x40: {  	s22 =	sadd.s32 s20, s12  }
0x41: {  	[sflag:s14] =	ssyncadd.s32 $0xFFFFC000;
	s20 =	smov.u32 s21;
	s23 =	sadd.s32 $0x20, s21  }
0x42: {  	[tilespmem:s3], [sflag:$0x2] =	stream.linear.gather [hbm4b:s22+s3], $0x100, $0x38;
	[tilespmem:$0x18100] =	vst v63  }
0x43: {  	p0 =	sne.s32 s21, $0x9E0;
	_ =	swait.ge [sflag:s14], $0x100  }
0x44: {  	[sflag:s14] =	ssyncset.done $0x0  }
0x45: {  	[sflag:s14] =	ssyncadd.s32 $0xFFFFFF00  }
0x46: {  	[tilespmem:s13], [sflag:$0x1] =	stream.indirect.gather [hbm4b:s4+s15], $0x80, s3, s15, $0xb8;
	[tilespmem:$0x18100] =	vst v63  }
0x47: {  	_ =	swait.ge [sflag:s16], $0x4000  }
.Ltmp1:
0x48: {  	[sflag:s16] =	ssyncset.done $0x0;
	(pc) =	sbr.rel @p0 .LBB2_4-.Ltmp1, $4  }
0x49: {  	[sflag:s16] =	ssyncadd.s32 $0xFFFFC000  }
0x4a: {  	[spmem:s1] =	stream.indirect.scatter.add.f32 [tilespmem:s13], [sflag:$0x2], $0x80, s15, s15, $0xb8;
	[tilespmem:$0x18100] =	vst v63  }
0x4b: {  	_ =	swait.ge [sflag:s14], $0x4000  }
0x4c: {  	s21 =	smov.u32 s23;
	[sflag:s14] =	ssyncset.done $0x0  }
0x4d: {  	s20 =	sadd.s32 s20, s12;
	[sflag:s14] =	ssyncadd.s32 $0xFFFFC000  }
0x4e: {  	[tilespmem:s3], [sflag:$0x2] =	stream.linear.gather [hbm4b:s20+s3], $0x100, $0x38;
	[tilespmem:$0x18100] =	vst v63  }
0x4f: {  	_ =	swait.ge [sflag:s14], $0x100  }
0x50: {  	[sflag:s14] =	ssyncset.done $0x0  }
0x51: {  	[sflag:s14] =	ssyncadd.s32 $0xFFFFFF00  }
0x52: {  	[tilespmem:s13], [sflag:$0x1] =	stream.indirect.gather [hbm4b:s4+s15], $0x80, s3, s15, $0xb8;
	[tilespmem:$0x18100] =	vst v63  }
0x53: {  	_ =	swait.ge [sflag:s16], $0x4000  }
0x54: {  	[sflag:s16] =	ssyncset.done $0x0  }
0x55: {  	[sflag:s16] =	ssyncadd.s32 $0xFFFFC000  }
0x56: {  	[spmem:s1] =	stream.indirect.scatter.add.f32 [tilespmem:s13], [sflag:$0x2], $0x80, s15, s15, $0xb8;
	[tilespmem:$0x18100] =	vst v63  }
0x57: {  	_ =	swait.ge [sflag:s14], $0x4000  }
0x58: {  	s19 =	sadd.s32 $0x1, s19;
	[sflag:s14] =	ssyncset.done $0x0  }
0x59: {  	p0 =	sne.s32 s19, s11;
	[sflag:s14] =	ssyncadd.s32 $0xFFFFC000  }
.Ltmp2:
0x5a: {  	[bflag:$0x0] =	sbarrier.arrive $0xFFFF;
	(pc) =	sbr.rel @p0 .LBB2_1-.Ltmp2, $4  }
0x5b: {  	[hbm:s10], [sflag:s17] =	dma.local [spmem:s18], $0x2800  }
0x5c: {  	_ =	swait.ge [sflag:s14], $0x2800  }
0x5d: {  	[sflag:s14] =	ssyncset.done $0x0  }
0x5e: {  	[sflag:s14] =	ssyncadd.s32 $0xFFFFD800  }
0x5f: {  	_ =	sfence.sel $0x180000  }
0x60: {  	[bflag:$0x0] =	sbarrier.arrive $0xFFFF  }
0x61: {  	p0 =	sne.s32 s2, $0x0;
	_ =	strace $0x9000004D  }
0x62: {  	s0 =	sadd.s32 @!p0 $0x100000, s0;
	[bflag:$0x2] =	sbarrier.arrive $0xFFFF  }
0x63: {  	[sflag:s0] =	ssyncadd.tile.s32 @!p0 $0x1;
	_ =	shalt  }
.Lfunc_end2:
_tile_overlayer_lowered:
.L_overlay_start_2:
0x64: {  	(tag) =	ssettag $0x2  }
0x65: {  	s0 =	rddreg [dreg:$0x0];
	s2 =	stileid.u32  }
0x66: {  	s1 =	rddreg [dreg:$0x1];
	p0 =	sne.s32 s2, $0x0  }
0x67: {  	s3 =	rddreg [dreg:$0x2];
	[bflag:$0x3] =	sbarrier.arrive $0xFFFF;
	s2 =	simm.s32 @!p0 $0x1C02  }
0x68: {  	[timem:s3], [sflag:s2] =	dma.local @!p0 [hbm:s0], s1  }
0x69: {  	s0 =	simm.s32 @!p0 $0x2  }
0x6a: {  	_ =	swait.ge @!p0 [sflag:s0], s1  }
0x6b: {  	s1 =	ssub.s32 @!p0 $0x0, s1;
	[sflag:s0] =	ssyncset.done @!p0 $0x0  }
0x6c: {  	[sflag:s0] =	ssyncadd.s32 @!p0 s1  }
0x6d: {  	[bflag:$0x3] =	sbarrier.arrive $0xFFFF  }
0x6e: {  	_ =	shalt  }

// kernel: kernel.8.cloned.1.call-start
scs
__scs_entry_jumppad:
0x0: {  	(pc) =	sbr.rel $0x88, $3  }
0x1: {  	(tag) =	ssettag $0x0;
	lr =	simm.s32 $0x1  }
0x2: {  	[smem:$0x3F99] =	sst lr;
	_ =	strace $0xD0000000  }
0x3: {  	_ = 	snop  }
0x4: {  	_ = 	snop  }
0x5: {  	_ = 	snop  }
0x6: {  	_ = 	snop  }
0x7: {  	_ = 	snop  }
__scs_overlays_trampoline_lowered:
0x8: {  	[smem:$0x3FA8] =	sst s0  }
0x9: {  	[smem:$0x3FA9] =	sst s1  }
0xa: {  	[smem:$0x3FAA] =	sst s2  }
0xb: {  	[smem:$0x3FAB] =	sst s3  }
0xc: {  	[smem:$0x3FAC] =	sst s4  }
0xd: {  	[smem:$0x3FAD] =	sst s5  }
0xe: {  	[smem:$0x3FAE] =	sst s6  }
0xf: {  	[smem:$0x3FAF] =	sst s7  }
0x10: {  	[smem:$0x3FB0] =	sst s8  }
0x11: {  	[smem:$0x3FB1] =	sst s9;
	s0 =	simm.s32 @!p0 $0x0  }
0x12: {  	s1 =	sld [smem:$0x3F97];
	s0 =	simm.s32 @p0 $0x1  }
0x13: {  	[smem:$0x3FB2] =	sst s0;
	s0 =	simm.s32 @!p1 $0x0  }
0x14: {  	s2 =	sld [smem:$0x3F96];
	s0 =	simm.s32 @p1 $0x1  }
0x15: {  	[smem:$0x3FB3] =	sst s0;
	s0 =	simm.s32 @!p2 $0x0  }
0x16: {  	s3 =	sld [smem:$0x3FDB];
	s0 =	simm.s32 @p2 $0x1  }
0x17: {  	s4 =	simm.s32 $0x1BF5;
	[smem:$0x3FB5] =	sst s0  }
0x18: {  	s0 =	sld [smem:$0x3F98];
	_ =	swait.ge [sflag:s4], $0x0  }
0x19: {  	s7 =	sld [smem:$0x3F99]  }
0x1a: {  	s8 =	sadd.s32 $0xFFFFE003, lr  }
0x1b: {  	s9 =	sadd.s32 $0xFFFFFEF7, lr;
	s5 =	simm.s32 $0xFFFFFFFF;
	p2 =	slt.u32 s8, $0xFFFFF086  }
0x1c: {  	p1 =	slt.u32 s9, $0xF7A;
	s5 =	simm.s32 @!p2 $0x0  }
0x1d: {  	s5 =	simm.s32 @p1 $0x1;
	p0 =	seq.s32 s7, s2  }
0x1e: {  	s7 =	smul.u32 @!p0 $0xF7A, s2;
	p2 =	seq.s32 @!p0 s5, $0x0  }
0x1f: {  	s9 =	smul.u32 $0xF7A, s1;
	s8 =	simm.s32 @!p0 $0x1BF5;
	p2 =	por !p2, p0  }
0x20: {  	[sflag:s8] =	ssyncset.s32 @!p0 $0xFFFFF086;
	s6 =	sadd.s32 @!p0 s3, s7;
	s7 =	simm.s32 @!p0 $0x108  }
0x21: {  	s3 =	sadd.s32 s3, s9;
	s6 =	sadd.s32 @!p0 $0x88, s6;
	s7 =	simm.s32 @p2 $0x1082  }
0x22: {  	[simem:s7], [sflag:s8] =	dma.local @!p0 [hbm:s6], $0xF7A  }
0x23: {  	s9 =	sor.u32 $0xD0000000, s2;
	s6 =	simm.s32 $0x108;
	_ =	swait.ge @!p0 [sflag:s8], $0x0  }
0x24: {  	s3 =	sadd.s32 $0x88, s3;
	s6 =	simm.s32 @!p1 $0x1082;
	[sflag:s4] =	ssyncset.s32 $0xFFFFF086  }
0x25: {  	[simem:s6], [sflag:s4] =	dma.local [hbm:s3], $0xF7A  }
0x26: {  	[smem:$0x3F99] =	sst s1;
	(tag) =	ssettag s2;
	_ =	strace s9  }
0x27: {  	s1 =	sld [smem:$0x3FA9]  }
0x28: {  	s2 =	sld [smem:$0x3FAA]  }
0x29: {  	s4 =	sld [smem:$0x3FAC]  }
0x2a: {  	p0 =	seq.s32 s5, $0x0;
	s5 =	sld [smem:$0x3FAD]  }
0x2b: {  	s6 =	sld [smem:$0x3FAE]  }
0x2c: {  	s7 =	sld [smem:$0x3FAF]  }
0x2d: {  	s3 =	simm.s32 $0x108;
	s8 =	sld [smem:$0x3FB0]  }
0x2e: {  	s3 =	simm.s32 @!p0 $0x1082;
	s9 =	sld [smem:$0x3FB1]  }
0x2f: {  	lr =	sadd.s32 s0, s3;
	s0 =	sld [smem:$0x3FA8]  }
0x30: {  	s3 =	sld [smem:$0x3FAB]  }
0x31: {  	[smem:$0x3FB4] =	sst s10  }
0x32: {  	s10 =	sld [smem:$0x3FB2];
	_ =	sdelay $0x3  }
0x33: {  	p0 =	seq.s32 s10, $0x1;
	s10 =	sld [smem:$0x3FB4];
	_ =	sdelay $0x3  }
0x34: {  	[smem:$0x3FB4] =	sst s10  }
0x35: {  	s10 =	sld [smem:$0x3FB3];
	_ =	sdelay $0x3  }
0x36: {  	p1 =	seq.s32 s10, $0x1;
	s10 =	sld [smem:$0x3FB4];
	_ =	sdelay $0x3  }
0x37: {  	[smem:$0x3FB4] =	sst s10  }
0x38: {  	s10 =	sld [smem:$0x3FB5]  }
0x39: {  	_ = 	snop;
	(pc) =	sbr.ind lr, $3  }
0x3a: {  	_ = 	snop  }
0x3b: {  	_ = 	snop  }
0x3c: {  	p2 =	seq.s32 s10, $0x1;
	s10 =	sld [smem:$0x3FB4]  }
0x3d: {  	_ =	shalt  }
0x3e: {  	_ =	shalt  }
0x3f: {  	_ =	shalt  }
0x40: {  	_ =	shalt  }
0x41: {  	_ =	shalt  }
0x42: {  	_ =	shalt  }
0x43: {  	_ =	shalt  }
0x44: {  	_ =	shalt  }
0x45: {  	_ =	shalt  }
0x46: {  	_ =	shalt  }
0x47: {  	_ =	shalt  }
0x48: {  	_ =	shalt  }
0x49: {  	_ =	shalt  }
0x4a: {  	_ =	shalt  }
0x4b: {  	_ =	shalt  }
0x4c: {  	_ =	shalt  }
0x4d: {  	_ =	shalt  }
0x4e: {  	_ =	shalt  }
0x4f: {  	_ =	shalt  }
0x50: {  	_ =	shalt  }
0x51: {  	_ =	shalt  }
0x52: {  	_ =	shalt  }
0x53: {  	_ =	shalt  }
0x54: {  	_ =	shalt  }
0x55: {  	_ =	shalt  }
0x56: {  	_ =	shalt  }
0x57: {  	_ =	shalt  }
0x58: {  	_ =	shalt  }
0x59: {  	_ =	shalt  }
0x5a: {  	_ =	shalt  }
0x5b: {  	_ =	shalt  }
0x5c: {  	_ =	shalt  }
0x5d: {  	_ =	shalt  }
0x5e: {  	_ =	shalt  }
0x5f: {  	_ =	shalt  }
0x60: {  	_ =	shalt  }
0x61: {  	_ =	shalt  }
0x62: {  	_ =	shalt  }
0x63: {  	_ =	shalt  }
0x64: {  	_ =	shalt  }
0x65: {  	_ =	shalt  }
0x66: {  	_ =	shalt  }
0x67: {  	_ =	shalt  }
0x68: {  	_ =	shalt  }
0x69: {  	_ =	shalt  }
0x6a: {  	_ =	shalt  }
0x6b: {  	_ =	shalt  }
0x6c: {  	_ =	shalt  }
0x6d: {  	_ =	shalt  }
0x6e: {  	_ =	shalt  }
0x6f: {  	_ =	shalt  }
0x70: {  	_ =	shalt  }
0x71: {  	_ =	shalt  }
0x72: {  	_ =	shalt  }
0x73: {  	_ =	shalt  }
0x74: {  	_ =	shalt  }
0x75: {  	_ =	shalt  }
0x76: {  	_ =	shalt  }
0x77: {  	_ =	shalt  }
0x78: {  	_ =	shalt  }
0x79: {  	_ =	shalt  }
0x7a: {  	_ =	shalt  }
0x7b: {  	_ =	shalt  }
0x7c: {  	_ =	shalt  }
0x7d: {  	_ =	shalt  }
0x7e: {  	_ =	shalt  }
0x7f: {  	_ =	shalt  }
0x80: {  	_ =	shalt  }
0x81: {  	_ =	shalt  }
0x82: {  	_ =	shalt  }
0x83: {  	_ =	shalt  }
0x84: {  	_ =	shalt  }
0x85: {  	_ =	shalt  }
0x86: {  	_ =	shalt  }
0x87: {  	_ =	shalt  }
.Lfunc_end0:
.L_simem_size_0:
called_computation_lowered:
.L_overlay_start_0:
0x88: {  	s2 =	sld [smem:$0x3FD9]  }
0x89: {  	s3 =	sld [smem:$0x3FFE];
	_ =	sdelay $0x1  }
0x8a: {  	s1 =	srdreg.scid  }
0x8b: {  	s0 =	sand.u32 $0x1, s1  }
0x8c: {  	s16 =	sshll.u32 s0, $0xA;
	s2 =	sadd.s32 s3, s2  }
0x8d: {  	s2 =	sadd.s32 s2, s16  }
0x8e: {  	[smem:$0x3FC0] =	sst s2  }
0x8f: {  	_ = 	snop  }
0x90: {  	(tm) =	ssettm $0x1  }
0x91: {  	s17 =	sld [smem:$0x3FFB];
	_ =	sdelay $0x3  }
0x92: {  	_ =	strace s17  }
0x93: {  	s2 =	sld [smem:$0x3FFC];
	_ =	sdelay $0x3  }
0x94: {  	_ =	strace s2  }
0x95: {  	s2 =	sld [smem:$0x3FFD];
	_ =	sdelay $0x3  }
0x96: {  	_ =	strace s2  }
0x97: {  	_ =	strace $0x8FFFFFFF  }
0x98: {  	s18 =	sld [smem:$0x3FDB];
	_ =	sdelay $0x1  }
0x99: {  	s19 =	simm.s32 $_scs_section_size  }
0x9a: {  	s4 =	simm.s32 $_size__tile_overlayer_lowered;
	s5 =	simm.s32 $_tile_overlayer_lowered  }
0x9b: {  	s22 =	simm.s32 $0x1BFF;
	s21 =	sshll.u32 s5, $0x1;
	s2 =	sadd.s32 s19, s18  }
0x9c: {  	s6 =	simm.s32 $0x0;
	s20 =	sshll.u32 s4, $0x1;
	s4 =	sadd.s32 s21, s2  }
0x9d: {  	[timem:s6], [sflag:s22] =	dma.local [hbm:s4], s20  }
0x9e: {  	_ =	swait.ge [sflag:s22], s20  }
0x9f: {  	s3 =	ssub.s32 $0x0, s20;
	[sflag:s22] =	ssyncset.done $0x0  }
0xa0: {  	[sflag:s22] =	ssyncadd.s32 s3;
	_ =	sdelay $0x1  }
0xa1: {  	s23 =	simm.s32 $0x1B8B  }
0xa2: {  	_ =	swait.ge [sflag:s23], $0x1  }
0xa3: {  	[sflag:s23] =	ssyncset.done $0x0  }
0xa4: {  	s25 =	simm.s32 $0x1B8E;
	s24 =	sld [smem:$0x3FFE];
	[sflag:s23] =	ssyncadd.s32 $0xFFFFFFFF  }
0xa5: {  	s26 =	simm.s32 $execute0_lowered;
	[smem:$0x3FD2] =	sst s25  }
0xa6: {  	s4 =	sshll.u32 s26, $0x1;
	_ =	strace $0x80000046;
	[dreg:$0x1] =	wrdreg $0xFFFFFFFF  }
0xa7: {  	s28 =	simm.s32 $_size_execute0_lowered;
	s2 =	sadd.s32 s2, s4;
	[dreg:$0x0] =	wrdreg $0x0  }
0xa8: {  	s4 =	sshll.u32 s28, $0x1;
	[dreg:$0x2] =	wrdreg s2  }
0xa9: {  	[dreg:$0x3] =	wrdreg s4  }
0xaa: {  	[dreg:$0x4] =	wrdreg $0xC0  }
0xab: {  	_ =	task [dreg:s6], $0x5FFFF  }
0xac: {  	[dreg:$0x1] =	wrdreg $0xFFFFFFFF  }
0xad: {  	[dreg:$0x0] =	wrdreg $0x60  }
0xae: {  	[dreg:$0x2] =	wrdreg s24  }
0xaf: {  	[dreg:$0x3] =	wrdreg $0x9  }
0xb0: {  	_ =	task.clear_ibuf [dreg:s6], $0x4FFFF;
	_ =	strace $0x90000046  }
0xb1: {  	s29 =	simm.s32 $0x9;
	_ =	strace $0x80000048  }
0xb2: {  	_ =	swait.ge [sflag:s29], $0x1  }
0xb3: {  	[sflag:s29] =	ssyncadd.s32 $0xFFFFFFFF  }
0xb4: {  	_ =	strace $0x90000048  }
0xb5: {  	_ =	sfence  }
0xb6: {  	s30 =	sld [smem:$0x0];
	_ =	sdelay $0x2  }
0xb7: {  	s31 =	sshll.u32 s1, $0xD;
	s1 =	sshrl.u32 s1, $0x2  }
0xb8: {  	s3 =	sand.u32 $0x4000, s31;
	s1 =	sadd.s32 s1, s30  }
0xb9: {  	s0 =	sor.u32 s3, s0;
	s1 =	sshll.u32 s1, $0x11  }
0xba: {  	s0 =	sor.u32 s1, s0  }
0xbb: {  	s0 =	sadd.s32 $0x8F2B, s0  }
0xbc: {  	[sflag:s0] =	ssyncadd.remote.s32 $0x1  }
0xbd: {  	_ =	sfence.sel $0xFFFF  }
0xbe: {  	[dreg:$0x0] =	wrdreg $0xFFFFFFFF;
	(pc) =	sbr.abs _section_cstart, $3  }
0xbf: {  	[dreg:$0x1] =	wrdreg $0xFFFFFFFF  }
0xc0: {  	_ =	task.clear_ibuf [dreg:s6], $0x2FFFF;
	_ =	strace $0x9FFFFFFF  }
0xc1: {  	(tm) =	ssettm $0x7FFFFFFF  }
tec
execute0_lowered:
.L_overlay_start_1:
0x0: {  	(tag) =	ssettag $0x1  }
0x1: {  	s0 =	srdreg.scid  }
0x2: {  	s3 =	sand.u32 $0x1, s0  }
0x3: {  	s0 =	stileid.u32;
	s1 =	sshll.u32 s3, $0x4  }
0x4: {  	s4 =	rddreg [dreg:$0x0];
	s1 =	sor.u32 s0, s1  }
0x5: {  	s6 =	simm.s32 $0x80;
	s7 =	simm.s32 $0x400;
	s1 =	sshrl.u32 s1, $0x3  }
0x6: {  	s8 =	simm.s32 $0x1;
	s30 =	sshll.u32 s0, $0x7;
	s2 =	smul.u32 $0x14000, s1  }
0x7: {  	s9 =	simm.s32 $0x2800;
	s3 =	ssub.s32 $0x2, s3;
	s5 =	sand.u32 $0x380, s30  }
0x8: {  	s1 =	rddreg [dreg:$0x1];
	s5 =	sor.u32 s5, s2;
	s2 =	simm.s32 $0x0  }
0x9: {  	s31 =	sshrl.u32 s3, $0x1;
	s5 =	sshrl.u32 s5, $0x3;
	[smem:$0x7FF] =	sst s2  }
0xa: {  	s4 =	sadd.s32 s5, s4;
	_ =	strace $0x80000047;
	s5 =	ssub.s32 s3, s31  }
0xb: {  	v0 =	vimm.f32 $0.0e+00;
	v1 =	vimm.f32 $1.000000000e+00;
	s3 =	sadd.s32 $0x2400, s4;
	s4 =	sadd.s32 $0xC400, s4;
	s5 =	smax.u32 s5, $0x1  }
.LBB2_1:
0xc: {  	s10 =	simm.s32 $0x40;
	s11 =	simm.s32 $0x0  }
.LBB2_2:
0xd: {  	p0 =	sne.s32 s10, $0x9FC0;
	[tilespmem:s11+$0x2800] =	vst v0;
	s11 =	smov.u32 s10;
	s10 =	sadd.s32 $0x40, s10  }
.Ltmp0:
0xe: {  	(pc) =	sbr.rel @p0 .LBB2_2-.Ltmp0, $2  }
0xf: {  	_ =	sdelay $0x2  }
0x10: {  	s11 =	sshra.s32 s11, $0x2  }
0x11: {  	[tilespmem:s11+$0x2800] =	vst v0;
	s10 =	simm.s32 $0x0  }
0x12: {  	[tilespmem:s10], [sflag:$0x1] =	stream.strided.gather [hbm4b:s3+s6], $0x2800, s7, s6, $0x38;
	[tilespmem:$0x5000] =	vst v63  }
0x13: {  	_ =	swait.ge [sflag:s8], $0x2800  }
0x14: {  	[sflag:s8] =	ssyncset.done $0x0  }
0x15: {  	s11 =	simm.s32 $0x0;
	s10 =	simm.s32 $0x40;
	[sflag:s8] =	ssyncadd.s32 $0xFFFFD800  }
.LBB2_4:
0x16: {  	p0 =	sne.s32 s10, $0x9FC0;
	v2 =	vld [tilespmem:s11+$0x0];
	_ =	sdelay $0x3  }
.Ltmp1:
0x17: {  	(pc) =	sbr.rel @p0 .LBB2_4-.Ltmp1, $2  }
0x18: {  	_ =	sdelay $0x2  }
0x19: {  	s11 =	sshra.s32 s10, $0x2;
	s10 =	sadd.s32 $0x40, s10;
	[tilespmem:v2+s9+$0x0] =	vst.idx.add.f32.msk $0xffff, v1  }
0x1a: {  	v2 =	vld [tilespmem:s11+$0x0];
	_ =	sdelay $0x5  }
0x1b: {  	s2 =	sadd.s32 $0x1, s2  }
0x1c: {  	p0 =	sne.s32 s2, s5  }
.Ltmp2:
0x1d: {  	[tilespmem:v2+s9+$0x0] =	vst.idx.add.f32.msk $0xffff, v1;
	(pc) =	sbr.rel @p0 .LBB2_1-.Ltmp2, $4  }
0x1e: {  	[hbm4b:s4+s6] =	stream.strided.scatter [tilespmem:s9], [sflag:$0x1], $0x2800, s7, s6, $0x38;
	[tilespmem:$0x5000] =	vst v63  }
0x1f: {  	_ =	swait.ge [sflag:s8], $0x2800  }
0x20: {  	[sflag:s8] =	ssyncset.done $0x0  }
0x21: {  	[sflag:s8] =	ssyncadd.s32 $0xFFFFD800  }
0x22: {  	_ =	sfence.sel $0x180000  }
0x23: {  	[bflag:$0x0] =	sbarrier.arrive $0xFFFF  }
0x24: {  	p0 =	sne.s32 s0, $0x0;
	_ =	strace $0x90000047  }
0x25: {  	s0 =	sadd.s32 @!p0 $0x100000, s1;
	[bflag:$0x2] =	sbarrier.arrive $0xFFFF  }
0x26: {  	[sflag:s0] =	ssyncadd.tile.s32 @!p0 $0x1;
	_ =	shalt  }
.Lfunc_end2:
_tile_overlayer_lowered:
.L_overlay_start_2:
0x27: {  	(tag) =	ssettag $0x2  }
0x28: {  	s0 =	rddreg [dreg:$0x0];
	s2 =	stileid.u32  }
0x29: {  	s1 =	rddreg [dreg:$0x1];
	p0 =	sne.s32 s2, $0x0  }
0x2a: {  	s3 =	rddreg [dreg:$0x2];
	[bflag:$0x3] =	sbarrier.arrive $0xFFFF;
	s2 =	simm.s32 @!p0 $0x1C01  }
0x2b: {  	[timem:s3], [sflag:s2] =	dma.local @!p0 [hbm:s0], s1  }
0x2c: {  	s0 =	simm.s32 @!p0 $0x1  }
0x2d: {  	_ =	swait.ge @!p0 [sflag:s0], s1  }
0x2e: {  	s1 =	ssub.s32 @!p0 $0x0, s1;
	[sflag:s0] =	ssyncset.done @!p0 $0x0  }
0x2f: {  	[sflag:s0] =	ssyncadd.s32 @!p0 s1  }
0x30: {  	[bflag:$0x3] =	sbarrier.arrive $0xFFFF  }
0x31: {  	_ =	shalt  }

</sc_bundles>
